<compile_context>
chip_gen: v7x
topology: tpu7x:2x2x1
jax: 0.10.2.dev20260603
libtpu: 0.0.44.dev20260713+nightly
codegen_flags: <defaults>
</compile_context>

<pallas_src>
import functools

import jax
import jax.numpy as jnp
from jax import lax
from jax.experimental import pallas as pl
from jax.experimental.pallas import tpu as pltpu
from jax.experimental.pallas import tpu_sc as plsc

_N = 32768
_R = 14
_C = 64
_F = 4
_NC = 2
_NS = 16
_NW = _NC * _NS
_L = 16
_ROWS = _N // _NW
_NPAIR = _F * _F
_PBLK = 48 * _L
_STAT = _NPAIR * _PBLK


def _bcast(v, i):
    return lax.gather(
        v,
        jnp.full((_L, 1), i, jnp.int32),
        lax.GatherDimensionNumbers(offset_dims=(), collapsed_slice_dims=(0,),
                                   start_index_map=(0,)),
        (1,),
        mode=lax.GatherScatterMode.PROMISE_IN_BOUNDS,
    )


def _sc_body(xa_hbm, xb_hbm, ia_hbm, ib_hbm, q_hbm, out_hbm,
             xa_v, xb_v, ia_v, ib_v, q_v, stat_v, acc_v, sem):
    cid = lax.axis_index("c")
    sid = lax.axis_index("s")
    wid = sid * _NC + cid
    base = wid * _ROWS

    cps = [
        pltpu.async_copy(xa_hbm.at[pl.ds(base * _R, _ROWS * _R)],
                         xa_v.at[pl.ds(0, _ROWS * _R)], sem),
        pltpu.async_copy(xb_hbm.at[pl.ds(base * _R, _ROWS * _R)],
                         xb_v.at[pl.ds(0, _ROWS * _R)], sem),
        pltpu.async_copy(ia_hbm.at[pl.ds(base, _ROWS)],
                         ia_v.at[pl.ds(0, _ROWS)], sem),
        pltpu.async_copy(ib_hbm.at[pl.ds(base, _ROWS)],
                         ib_v.at[pl.ds(0, _ROWS)], sem),
        pltpu.async_copy(q_hbm, q_v, sem),
    ]

    zeros = jnp.zeros((_L,), jnp.float32)

    def zero_body(j, _):
        stat_v[pl.ds(j * _L, _L)] = zeros
        return 0

    lax.fori_loop(0, _STAT // _L, zero_body, 0)
    for cp in cps:
        cp.wait()

    lanes = lax.iota(jnp.int32, _L)
    in_row = lanes < _R
    one14 = jnp.where(lanes == _R, 1.0, 0.0).astype(jnp.float32)

    def one_row(n, pid):
        z1 = jnp.where(in_row, xa_v[pl.ds(n * _R, _L)], one14)
        z2 = jnp.where(in_row, xb_v[pl.ds(n * _R, _L)], 0.0)
        off = pid * _PBLK
        for i in range(15):
            zi = _bcast(z1, i)
            plsc.addupdate(stat_v.at[pl.ds(off + i * _L, _L)], zi * z1)
            plsc.addupdate(stat_v.at[pl.ds(off + (15 + i) * _L, _L)], zi * z2)
        for i in range(14):
            zi = _bcast(z2, i)
            plsc.addupdate(stat_v.at[pl.ds(off + (30 + i) * _L, _L)], zi * z2)

    def row_body(k, _):
        n = k * 4
        pid16 = ia_v[pl.ds(n, _L)] * _F + ib_v[pl.ds(n, _L)]
        for j in range(4):
            one_row(n + j, pid16[j])
        return 0

    lax.fori_loop(0, _ROWS // 4, row_body, 0)

    def dot_body(j, acc):
        return acc + stat_v[pl.ds(j * _L, _L)] * q_v[pl.ds(j * _L, _L)]

    acc_v[...] = lax.fori_loop(0, _STAT // _L, dot_body, zeros)
    pltpu.sync_copy(acc_v, out_hbm.at[wid])


_fcl_sc = functools.partial(
    pl.kernel,
    out_type=jax.ShapeDtypeStruct((_NW, _L), jnp.float32),
    mesh=plsc.VectorSubcoreMesh(core_axis_name="c", subcore_axis_name="s",
                                num_cores=_NC, num_subcores=_NS),
    scratch_types=[
        pltpu.VMEM((_ROWS * _R + _L,), jnp.float32),
        pltpu.VMEM((_ROWS * _R + _L,), jnp.float32),
        pltpu.VMEM((_ROWS + _L,), jnp.int32),
        pltpu.VMEM((_ROWS + _L,), jnp.int32),
        pltpu.VMEM((_STAT,), jnp.float32),
        pltpu.VMEM((_STAT,), jnp.float32),
        pltpu.VMEM((_L,), jnp.float32),
        pltpu.SemaphoreType.DMA,
    ],
    compiler_params=pltpu.CompilerParams(needs_layout_passes=False,
                                         disable_bounds_checks=True,
                                         disable_semaphore_checks=True),
)(_sc_body)


def _build_q(W, b):
    f32 = jnp.float32
    G = jnp.einsum("aci,bcj->abij", W, W)
    db = b[:, None, :] - b[None, :, :]
    va = jnp.einsum("aci,abc->abi", W, db)
    vb = jnp.einsum("bcj,abc->abj", W, db)
    s = jnp.sum(db * db, axis=-1)

    ar = jnp.arange(_F)
    Q1 = jnp.zeros((_F, _F, 15, _L), f32)
    Q1 = Q1.at[:, :, :_R, :_R].set(G[ar, ar][:, None])
    Q1 = Q1.at[:, :, 14, :_R].set(2.0 * va)
    Q1 = Q1.at[:, :, 14, 14].set(s)
    Q2 = jnp.zeros((_F, _F, 15, _L), f32)
    Q2 = Q2.at[:, :, :_R, :_R].set(-2.0 * G)
    Q2 = Q2.at[:, :, 14, :_R].set(-2.0 * vb)
    Q3 = jnp.zeros((_F, _F, 14, _L), f32)
    Q3 = Q3.at[:, :, :_R, :_R].set(G[ar, ar][None])

    return jnp.concatenate(
        [Q1, Q2, Q3, jnp.zeros((_F, _F, 4, _L), f32)], axis=2
    ).reshape(_NPAIR * _PBLK)


def kernel(relation_logits_a, relation_logits_b, frame_type_ids_a,
           frame_type_ids_b, W, b):
    f32 = jnp.float32
    xa = relation_logits_a.astype(f32).reshape(-1)
    xb = relation_logits_b.astype(f32).reshape(-1)
    ia = frame_type_ids_a.astype(jnp.int32)
    ib = frame_type_ids_b.astype(jnp.int32)
    q = _build_q(W.astype(f32), b.astype(f32))
    partials = _fcl_sc(xa, xb, ia, ib, q)
    return jnp.sum(partials) / f32(_N * _C)

# --- scband reference (transcript-rebuilt; emitter-appended) ---
"""Pipeline reference for scband-frame-consistency-loss-72550587564373 (READ-ONLY COPY).

The authoritative reference and input builder live on the scoring server;
editing this copy changes nothing except your own understanding.
"""

import jax, jax.numpy as jnp
import numpy as np

N = 32768
RELATION_DIM = 14
CANONICAL_DIM = 64
NUM_FRAME_TYPES = 4


def setup_inputs(seed: int = 0) -> dict:
    key = jax.random.key(seed)
    ks = jax.random.split(key, 8)
    bound = 1.0 / np.sqrt(RELATION_DIM)
    inp = {
        "relation_logits_a": jax.random.normal(ks[0], (N, RELATION_DIM), dtype=jnp.float32),
        "relation_logits_b": jax.random.normal(ks[1], (N, RELATION_DIM), dtype=jnp.float32),
        "frame_type_ids_a": jax.random.randint(ks[2], (N,), 0, NUM_FRAME_TYPES, dtype=jnp.int64 if jax.config.jax_enable_x64 else jnp.int32),
        "frame_type_ids_b": jax.random.randint(ks[3], (N,), 0, NUM_FRAME_TYPES, dtype=jnp.int64 if jax.config.jax_enable_x64 else jnp.int32),
        # stacked per-frame-type Linear params: W[f] is (canonical_dim, relation_dim), b[f] is (canonical_dim,)
        "W": jax.random.uniform(ks[4], (NUM_FRAME_TYPES, CANONICAL_DIM, RELATION_DIM), minval=-bound, maxval=bound, dtype=jnp.float32),
        "b": jax.random.uniform(ks[5], (NUM_FRAME_TYPES, CANONICAL_DIM), minval=-bound, maxval=bound, dtype=jnp.float32),
    }
    return inp


def _batch_project(x, ids, W, b):
    # gather per-sample projection matrix by frame type id, then apply Linear: x @ W_f^T + b_f
    Wg = jnp.take(W, ids, axis=0)  # (N, canonical_dim, relation_dim)
    bg = jnp.take(b, ids, axis=0)  # (N, canonical_dim)
    return jnp.einsum('nr,ncr->nc', x, Wg) + bg


def reference(relation_logits_a, relation_logits_b, frame_type_ids_a, frame_type_ids_b, W, b):
    proj_a = _batch_project(relation_logits_a, frame_type_ids_a, W, b)
    proj_b = _batch_project(relation_logits_b, frame_type_ids_b, W, b)
    loss = jnp.mean((proj_a - proj_b) ** 2)
    return loss

if __name__ == "__main__":
    import jax
    _d = setup_inputs()
    print(jax.jit(kernel)(*tuple(_d.values())))

</pallas_src>

<mosaic_0001>
#map = affine_map<(d0, d1) -> (0)>
#map1 = affine_map<(d0, d1) -> (0, 0)>
module attributes {stable_mosaic.version = 14 : i64} {
  func.func @_sc_body(%arg0: i32, %arg1: i32, %arg2: memref<458752xf32, #tpu.memory_space<hbm>>, %arg3: memref<458752xf32, #tpu.memory_space<hbm>>, %arg4: memref<32768xi32, #tpu.memory_space<hbm>>, %arg5: memref<32768xi32, #tpu.memory_space<hbm>>, %arg6: memref<12288xf32, #tpu.memory_space<hbm>>, %arg7: memref<32x16xf32, #tpu.memory_space<hbm>>, %arg8: memref<14352xf32, #tpu.memory_space<vmem>>, %arg9: memref<14352xf32, #tpu.memory_space<vmem>>, %arg10: memref<1040xi32, #tpu.memory_space<vmem>>, %arg11: memref<1040xi32, #tpu.memory_space<vmem>>, %arg12: memref<12288xf32, #tpu.memory_space<vmem>>, %arg13: memref<12288xf32, #tpu.memory_space<vmem>>, %arg14: memref<16xf32, #tpu.memory_space<vmem>>, %arg15: memref<!tpu.dma_semaphore, #tpu.memory_space<semaphore_mem>>) attributes {dimension_semantics = [#tpu.dimension_semantics<core_parallel>, #tpu.dimension_semantics<subcore_parallel>], iteration_bounds = array<i64: 2, 16>, scalar_prefetch = 0 : i64, scratch_operands = 8 : i64, tpu.core_type = #tpu.core_type<sc_vector_subcore>, window_params = [{transform_indices = #map}, {transform_indices = #map}, {transform_indices = #map}, {transform_indices = #map}, {transform_indices = #map}, {transform_indices = #map1}]} {
    %mul3A = arith.constant 2 : i32
    %mul3A_0 = arith.muli %arg1, %mul3A : i32
    %add3A = arith.addi %mul3A_0, %arg0 : i32
    %mul3A_1 = arith.constant 1024 : i32
    %mul3A_2 = arith.muli %add3A, %mul3A_1 : i32
    %mul3A_3 = arith.constant 14 : i32
    %mul3A_4 = arith.muli %mul3A_2, %mul3A_3 : i32
    %dma_start3A = arith.constant 0 : i32
    %dma_start3A_5 = tpu.memref_slice %arg8[%dma_start3A] : memref<14352xf32, #tpu.memory_space<vmem>> -> memref<14336xf32, #tpu.memory_space<vmem>>
    %dma_start3A_6 = tpu.memref_slice %arg2[%mul3A_4] : memref<458752xf32, #tpu.memory_space<hbm>> -> memref<14336xf32, #tpu.memory_space<hbm>>
    %dma_start3A_7 = arith.constant 0 : i32
    %dma_start3A_8 = tpu.memref_slice %arg8[%dma_start3A_7] : memref<14352xf32, #tpu.memory_space<vmem>> -> memref<14336xf32, #tpu.memory_space<vmem>>
    %dma_start3A_9 = tpu.memref_slice %arg2[%mul3A_4] : memref<458752xf32, #tpu.memory_space<hbm>> -> memref<14336xf32, #tpu.memory_space<hbm>>
    tpu.enqueue_dma source(%dma_start3A_9 : memref<14336xf32, #tpu.memory_space<hbm>>) target(%dma_start3A_8 : memref<14336xf32, #tpu.memory_space<vmem>>) target_semaphore(%arg15 : memref<!tpu.dma_semaphore, #tpu.memory_space<semaphore_mem>>)
    %mul3A_10 = arith.constant 14 : i32
    %mul3A_11 = arith.muli %mul3A_2, %mul3A_10 : i32
    %dma_start3A_12 = arith.constant 0 : i32
    %dma_start3A_13 = tpu.memref_slice %arg9[%dma_start3A_12] : memref<14352xf32, #tpu.memory_space<vmem>> -> memref<14336xf32, #tpu.memory_space<vmem>>
    %dma_start3A_14 = tpu.memref_slice %arg3[%mul3A_11] : memref<458752xf32, #tpu.memory_space<hbm>> -> memref<14336xf32, #tpu.memory_space<hbm>>
    %dma_start3A_15 = arith.constant 0 : i32
    %dma_start3A_16 = tpu.memref_slice %arg9[%dma_start3A_15] : memref<14352xf32, #tpu.memory_space<vmem>> -> memref<14336xf32, #tpu.memory_space<vmem>>
    %dma_start3A_17 = tpu.memref_slice %arg3[%mul3A_11] : memref<458752xf32, #tpu.memory_space<hbm>> -> memref<14336xf32, #tpu.memory_space<hbm>>
    tpu.enqueue_dma source(%dma_start3A_17 : memref<14336xf32, #tpu.memory_space<hbm>>) target(%dma_start3A_16 : memref<14336xf32, #tpu.memory_space<vmem>>) target_semaphore(%arg15 : memref<!tpu.dma_semaphore, #tpu.memory_space<semaphore_mem>>)
    %dma_start3A_18 = arith.constant 0 : i32
    %dma_start3A_19 = tpu.memref_slice %arg10[%dma_start3A_18] : memref<1040xi32, #tpu.memory_space<vmem>> -> memref<1024xi32, #tpu.memory_space<vmem>>
    %dma_start3A_20 = tpu.memref_slice %arg4[%mul3A_2] : memref<32768xi32, #tpu.memory_space<hbm>> -> memref<1024xi32, #tpu.memory_space<hbm>>
    %dma_start3A_21 = arith.constant 0 : i32
    %dma_start3A_22 = tpu.memref_slice %arg10[%dma_start3A_21] : memref<1040xi32, #tpu.memory_space<vmem>> -> memref<1024xi32, #tpu.memory_space<vmem>>
    %dma_start3A_23 = tpu.memref_slice %arg4[%mul3A_2] : memref<32768xi32, #tpu.memory_space<hbm>> -> memref<1024xi32, #tpu.memory_space<hbm>>
    tpu.enqueue_dma source(%dma_start3A_23 : memref<1024xi32, #tpu.memory_space<hbm>>) target(%dma_start3A_22 : memref<1024xi32, #tpu.memory_space<vmem>>) target_semaphore(%arg15 : memref<!tpu.dma_semaphore, #tpu.memory_space<semaphore_mem>>)
    %dma_start3A_24 = arith.constant 0 : i32
    %dma_start3A_25 = tpu.memref_slice %arg11[%dma_start3A_24] : memref<1040xi32, #tpu.memory_space<vmem>> -> memref<1024xi32, #tpu.memory_space<vmem>>
    %dma_start3A_26 = tpu.memref_slice %arg5[%mul3A_2] : memref<32768xi32, #tpu.memory_space<hbm>> -> memref<1024xi32, #tpu.memory_space<hbm>>
    %dma_start3A_27 = arith.constant 0 : i32
    %dma_start3A_28 = tpu.memref_slice %arg11[%dma_start3A_27] : memref<1040xi32, #tpu.memory_space<vmem>> -> memref<1024xi32, #tpu.memory_space<vmem>>
    %dma_start3A_29 = tpu.memref_slice %arg5[%mul3A_2] : memref<32768xi32, #tpu.memory_space<hbm>> -> memref<1024xi32, #tpu.memory_space<hbm>>
    tpu.enqueue_dma source(%dma_start3A_29 : memref<1024xi32, #tpu.memory_space<hbm>>) target(%dma_start3A_28 : memref<1024xi32, #tpu.memory_space<vmem>>) target_semaphore(%arg15 : memref<!tpu.dma_semaphore, #tpu.memory_space<semaphore_mem>>)
    tpu.enqueue_dma source(%arg6 : memref<12288xf32, #tpu.memory_space<hbm>>) target(%arg12 : memref<12288xf32, #tpu.memory_space<vmem>>) target_semaphore(%arg15 : memref<!tpu.dma_semaphore, #tpu.memory_space<semaphore_mem>>)
    %broadcast_in_dim3A = arith.constant 0.000000e+00 : f32
    %broadcast_in_dim3A_30 = vector.broadcast %broadcast_in_dim3A : f32 to vector<16xf32>
    %scan3A = arith.constant 0 : i32
    %scan3A_31 = arith.constant 0 : i32
    %scan3A_32 = arith.constant 768 : i32
    %scan3A_33 = arith.addi %scan3A_31, %scan3A_32 : i32
    %scan3A_34 = arith.constant 1 : i32
    %scan3A_35 = scf.for %scan3A_81 = %scan3A_31 to %scan3A_33 step %scan3A_34 iter_args(%scan3A_82 = %scan3A) -> (i32)  : i32 {
      %mul3A_83 = arith.constant 16 : i32
      %mul3A_84 = arith.muli %scan3A_81, %mul3A_83 : i32
      %swap3A_85 = arith.index_cast %mul3A_84 : i32 to index
      %swap3A_86 = tpu.vector_load %arg13[%swap3A_85] {strides = array<i32>} : memref<12288xf32, #tpu.memory_space<vmem>>, vector<16xf32>,
      tpu.vector_store %arg13[%swap3A_85], %broadcast_in_dim3A_30 {strides = array<i32>} : memref<12288xf32, #tpu.memory_space<vmem>>, vector<16xf32>,
      %scan3A_87 = arith.constant 0 : i32
      scf.yield %scan3A_87 : i32
    }
    %scan3A_36 = arith.constant 768 : i32
    %dma_wait3A = arith.constant 0 : i32
    %dma_wait3A_37 = tpu.memref_slice %arg8[%dma_wait3A] : memref<14352xf32, #tpu.memory_space<vmem>> -> memref<14336xf32, #tpu.memory_space<vmem>>
    %dma_wait3A_38 = tpu.memref_slice %arg2[%mul3A_4] : memref<458752xf32, #tpu.memory_space<hbm>> -> memref<14336xf32, #tpu.memory_space<hbm>>
    %dma_wait3A_39 = arith.constant 0 : i32
    %dma_wait3A_40 = tpu.memref_slice %arg8[%dma_wait3A_39] : memref<14352xf32, #tpu.memory_space<vmem>> -> memref<14336xf32, #tpu.memory_space<vmem>>
    %dma_wait3A_41 = tpu.memref_slice %arg2[%mul3A_4] : memref<458752xf32, #tpu.memory_space<hbm>> -> memref<14336xf32, #tpu.memory_space<hbm>>
    tpu.wait_dma2 semaphore(%arg15 : memref<!tpu.dma_semaphore, #tpu.memory_space<semaphore_mem>>) src(%dma_wait3A_41 : memref<14336xf32, #tpu.memory_space<hbm>>) dst(%dma_wait3A_40 : memref<14336xf32, #tpu.memory_space<vmem>>)
    %dma_wait3A_42 = arith.constant 0 : i32
    %dma_wait3A_43 = tpu.memref_slice %arg9[%dma_wait3A_42] : memref<14352xf32, #tpu.memory_space<vmem>> -> memref<14336xf32, #tpu.memory_space<vmem>>
    %dma_wait3A_44 = tpu.memref_slice %arg3[%mul3A_11] : memref<458752xf32, #tpu.memory_space<hbm>> -> memref<14336xf32, #tpu.memory_space<hbm>>
    %dma_wait3A_45 = arith.constant 0 : i32
    %dma_wait3A_46 = tpu.memref_slice %arg9[%dma_wait3A_45] : memref<14352xf32, #tpu.memory_space<vmem>> -> memref<14336xf32, #tpu.memory_space<vmem>>
    %dma_wait3A_47 = tpu.memref_slice %arg3[%mul3A_11] : memref<458752xf32, #tpu.memory_space<hbm>> -> memref<14336xf32, #tpu.memory_space<hbm>>
    tpu.wait_dma2 semaphore(%arg15 : memref<!tpu.dma_semaphore, #tpu.memory_space<semaphore_mem>>) src(%dma_wait3A_47 : memref<14336xf32, #tpu.memory_space<hbm>>) dst(%dma_wait3A_46 : memref<14336xf32, #tpu.memory_space<vmem>>)
    %dma_wait3A_48 = arith.constant 0 : i32
    %dma_wait3A_49 = tpu.memref_slice %arg10[%dma_wait3A_48] : memref<1040xi32, #tpu.memory_space<vmem>> -> memref<1024xi32, #tpu.memory_space<vmem>>
    %dma_wait3A_50 = tpu.memref_slice %arg4[%mul3A_2] : memref<32768xi32, #tpu.memory_space<hbm>> -> memref<1024xi32, #tpu.memory_space<hbm>>
    %dma_wait3A_51 = arith.constant 0 : i32
    %dma_wait3A_52 = tpu.memref_slice %arg10[%dma_wait3A_51] : memref<1040xi32, #tpu.memory_space<vmem>> -> memref<1024xi32, #tpu.memory_space<vmem>>
    %dma_wait3A_53 = tpu.memref_slice %arg4[%mul3A_2] : memref<32768xi32, #tpu.memory_space<hbm>> -> memref<1024xi32, #tpu.memory_space<hbm>>
    tpu.wait_dma2 semaphore(%arg15 : memref<!tpu.dma_semaphore, #tpu.memory_space<semaphore_mem>>) src(%dma_wait3A_53 : memref<1024xi32, #tpu.memory_space<hbm>>) dst(%dma_wait3A_52 : memref<1024xi32, #tpu.memory_space<vmem>>)
    %dma_wait3A_54 = arith.constant 0 : i32
    %dma_wait3A_55 = tpu.memref_slice %arg11[%dma_wait3A_54] : memref<1040xi32, #tpu.memory_space<vmem>> -> memref<1024xi32, #tpu.memory_space<vmem>>
    %dma_wait3A_56 = tpu.memref_slice %arg5[%mul3A_2] : memref<32768xi32, #tpu.memory_space<hbm>> -> memref<1024xi32, #tpu.memory_space<hbm>>
    %dma_wait3A_57 = arith.constant 0 : i32
    %dma_wait3A_58 = tpu.memref_slice %arg11[%dma_wait3A_57] : memref<1040xi32, #tpu.memory_space<vmem>> -> memref<1024xi32, #tpu.memory_space<vmem>>
    %dma_wait3A_59 = tpu.memref_slice %arg5[%mul3A_2] : memref<32768xi32, #tpu.memory_space<hbm>> -> memref<1024xi32, #tpu.memory_space<hbm>>
    tpu.wait_dma2 semaphore(%arg15 : memref<!tpu.dma_semaphore, #tpu.memory_space<semaphore_mem>>) src(%dma_wait3A_59 : memref<1024xi32, #tpu.memory_space<hbm>>) dst(%dma_wait3A_58 : memref<1024xi32, #tpu.memory_space<vmem>>)
    tpu.wait_dma2 semaphore(%arg15 : memref<!tpu.dma_semaphore, #tpu.memory_space<semaphore_mem>>) src(%arg6 : memref<12288xf32, #tpu.memory_space<hbm>>) dst(%arg12 : memref<12288xf32, #tpu.memory_space<vmem>>)
    %iota3A = tpu.iota {dimensions = array<i32: 0>} : vector<16xi32>
    %lt3A = arith.constant 14 : i32
    %lt3A_60 = vector.broadcast %lt3A : i32 to vector<16xi32>
    %lt3A_61 = arith.cmpi slt, %iota3A, %lt3A_60 : vector<16xi32>
    %eq3A = arith.constant 14 : i32
    %eq3A_62 = vector.broadcast %eq3A : i32 to vector<16xi32>
    %eq3A_63 = arith.cmpi eq, %iota3A, %eq3A_62 : vector<16xi32>
    %jit3A = arith.constant 1.000000e+00 : f32
    %jit3A_64 = arith.constant 0.000000e+00 : f32
    %broadcast_in_dim3A_65 = vector.broadcast %jit3A : f32 to vector<16xf32>
    %broadcast_in_dim3A_66 = vector.broadcast %jit3A_64 : f32 to vector<16xf32>
    %select_n3A = arith.select %eq3A_63, %broadcast_in_dim3A_65, %broadcast_in_dim3A_66 : vector<16xi1>, vector<16xf32>
    %scan3A_67 = arith.constant 0 : i32
    %scan3A_68 = arith.constant 0 : i32
    %scan3A_69 = arith.constant 256 : i32
    %scan3A_70 = arith.addi %scan3A_68, %scan3A_69 : i32
    %scan3A_71 = arith.constant 1 : i32
    %scan3A_72 = scf.for %scan3A_81 = %scan3A_68 to %scan3A_70 step %scan3A_71 iter_args(%scan3A_82 = %scan3A_67) -> (i32)  : i32 {
      %mul3A_83 = arith.constant 4 : i32
      %mul3A_84 = arith.muli %scan3A_81, %mul3A_83 : i32
      %get3A = arith.index_cast %mul3A_84 : i32 to index
      %get3A_85 = tpu.vector_load %arg10[%get3A] {strides = array<i32>} : memref<1040xi32, #tpu.memory_space<vmem>>, vector<16xi32>,
      %mul3A_86 = arith.constant 4 : i32
      %mul3A_87 = vector.broadcast %mul3A_86 : i32 to vector<16xi32>
      %mul3A_88 = arith.muli %get3A_85, %mul3A_87 : vector<16xi32>
      %get3A_89 = arith.index_cast %mul3A_84 : i32 to index
      %get3A_90 = tpu.vector_load %arg11[%get3A_89] {strides = array<i32>} : memref<1040xi32, #tpu.memory_space<vmem>>, vector<16xi32>,
      %add3A_91 = arith.addi %mul3A_88, %get3A_90 : vector<16xi32>
      %add3A_92 = arith.constant 0 : i32
      %add3A_93 = arith.addi %mul3A_84, %add3A_92 : i32
      %slice3A = vector.extract_strided_slice %add3A_91 {offsets = [0], sizes = [1], strides = [1]} : vector<16xi32> to vector<1xi32>
      %squeeze3A = vector.extract %slice3A[0] : i32 from vector<1xi32>
      %mul3A_94 = arith.constant 14 : i32
      %mul3A_95 = arith.muli %add3A_93, %mul3A_94 : i32
      %get3A_96 = arith.index_cast %mul3A_95 : i32 to index
      %get3A_97 = tpu.vector_load %arg8[%get3A_96] {strides = array<i32>} : memref<14352xf32, #tpu.memory_space<vmem>>, vector<16xf32>,
      %select_n3A_98 = arith.select %lt3A_61, %get3A_97, %select_n3A : vector<16xi1>, vector<16xf32>
      %mul3A_99 = arith.constant 14 : i32
      %mul3A_100 = arith.muli %add3A_93, %mul3A_99 : i32
      %get3A_101 = arith.index_cast %mul3A_100 : i32 to index
      %get3A_102 = tpu.vector_load %arg9[%get3A_101] {strides = array<i32>} : memref<14352xf32, #tpu.memory_space<vmem>>, vector<16xf32>,
      %jit3A_103 = arith.constant 0.000000e+00 : f32
      %broadcast_in_dim3A_104 = vector.broadcast %jit3A_103 : f32 to vector<16xf32>
      %select_n3A_105 = arith.select %lt3A_61, %get3A_102, %broadcast_in_dim3A_104 : vector<16xi1>, vector<16xf32>
      %mul3A_106 = arith.constant 768 : i32
      %mul3A_107 = arith.muli %squeeze3A, %mul3A_106 : i32
      %broadcast_in_dim3A_108 = arith.constant 0 : i32
      %broadcast_in_dim3A_109 = vector.broadcast %broadcast_in_dim3A_108 : i32 to vector<16x1xi32>
      %gather3A = vector.shape_cast %broadcast_in_dim3A_109 : vector<16x1xi32> to vector<16xi32>
      %gather3A_110 = tpu.dynamic_gather %select_n3A_98[%gather3A] in [0] : vector<16xf32>, vector<16xi32> -> vector<16xf32>
      %add3A_111 = arith.constant 0 : i32
      %add3A_112 = arith.addi %mul3A_107, %add3A_111 : i32
      %mul3A_113 = arith.mulf %gather3A_110, %select_n3A_98 : vector<16xf32>
      %swap3A_114 = arith.index_cast %add3A_112 : i32 to index
      %swap3A_115 = tpu.vector_load %arg13[%swap3A_114] {strides = array<i32>} : memref<12288xf32, #tpu.memory_space<vmem>>, vector<16xf32>,
      tpu.vector_store %arg13[%swap3A_114], %mul3A_113 {add = true, strides = array<i32>} : memref<12288xf32, #tpu.memory_space<vmem>>, vector<16xf32>,
      %add3A_116 = arith.constant 240 : i32
      %add3A_117 = arith.addi %mul3A_107, %add3A_116 : i32
      %mul3A_118 = arith.mulf %gather3A_110, %select_n3A_105 : vector<16xf32>
      %swap3A_119 = arith.index_cast %add3A_117 : i32 to index
      %swap3A_120 = tpu.vector_load %arg13[%swap3A_119] {strides = array<i32>} : memref<12288xf32, #tpu.memory_space<vmem>>, vector<16xf32>,
      tpu.vector_store %arg13[%swap3A_119], %mul3A_118 {add = true, strides = array<i32>} : memref<12288xf32, #tpu.memory_space<vmem>>, vector<16xf32>,
      %broadcast_in_dim3A_121 = arith.constant 1 : i32
      %broadcast_in_dim3A_122 = vector.broadcast %broadcast_in_dim3A_121 : i32 to vector<16x1xi32>
      %gather3A_123 = vector.shape_cast %broadcast_in_dim3A_122 : vector<16x1xi32> to vector<16xi32>
      %gather3A_124 = tpu.dynamic_gather %select_n3A_98[%gather3A_123] in [0] : vector<16xf32>, vector<16xi32> -> vector<16xf32>
      %add3A_125 = arith.constant 16 : i32
      %add3A_126 = arith.addi %mul3A_107, %add3A_125 : i32
      %mul3A_127 = arith.mulf %gather3A_124, %select_n3A_98 : vector<16xf32>
      %swap3A_128 = arith.index_cast %add3A_126 : i32 to index
      %swap3A_129 = tpu.vector_load %arg13[%swap3A_128] {strides = array<i32>} : memref<12288xf32, #tpu.memory_space<vmem>>, vector<16xf32>,
      tpu.vector_store %arg13[%swap3A_128], %mul3A_127 {add = true, strides = array<i32>} : memref<12288xf32, #tpu.memory_space<vmem>>, vector<16xf32>,
      %add3A_130 = arith.constant 256 : i32
      %add3A_131 = arith.addi %mul3A_107, %add3A_130 : i32
      %mul3A_132 = arith.mulf %gather3A_124, %select_n3A_105 : vector<16xf32>
      %swap3A_133 = arith.index_cast %add3A_131 : i32 to index
      %swap3A_134 = tpu.vector_load %arg13[%swap3A_133] {strides = array<i32>} : memref<12288xf32, #tpu.memory_space<vmem>>, vector<16xf32>,
      tpu.vector_store %arg13[%swap3A_133], %mul3A_132 {add = true, strides = array<i32>} : memref<12288xf32, #tpu.memory_space<vmem>>, vector<16xf32>,
      %broadcast_in_dim3A_135 = arith.constant 2 : i32
      %broadcast_in_dim3A_136 = vector.broadcast %broadcast_in_dim3A_135 : i32 to vector<16x1xi32>
      %gather3A_137 = vector.shape_cast %broadcast_in_dim3A_136 : vector<16x1xi32> to vector<16xi32>
      %gather3A_138 = tpu.dynamic_gather %select_n3A_98[%gather3A_137] in [0] : vector<16xf32>, vector<16xi32> -> vector<16xf32>
      %add3A_139 = arith.constant 32 : i32
      %add3A_140 = arith.addi %mul3A_107, %add3A_139 : i32
      %mul3A_141 = arith.mulf %gather3A_138, %select_n3A_98 : vector<16xf32>
      %swap3A_142 = arith.index_cast %add3A_140 : i32 to index
      %swap3A_143 = tpu.vector_load %arg13[%swap3A_142] {strides = array<i32>} : memref<12288xf32, #tpu.memory_space<vmem>>, vector<16xf32>,
      tpu.vector_store %arg13[%swap3A_142], %mul3A_141 {add = true, strides = array<i32>} : memref<12288xf32, #tpu.memory_space<vmem>>, vector<16xf32>,
      %add3A_144 = arith.constant 272 : i32
      %add3A_145 = arith.addi %mul3A_107, %add3A_144 : i32
      %mul3A_146 = arith.mulf %gather3A_138, %select_n3A_105 : vector<16xf32>
      %swap3A_147 = arith.index_cast %add3A_145 : i32 to index
      %swap3A_148 = tpu.vector_load %arg13[%swap3A_147] {strides = array<i32>} : memref<12288xf32, #tpu.memory_space<vmem>>, vector<16xf32>,
      tpu.vector_store %arg13[%swap3A_147], %mul3A_146 {add = true, strides = array<i32>} : memref<12288xf32, #tpu.memory_space<vmem>>, vector<16xf32>,
      %broadcast_in_dim3A_149 = arith.constant 3 : i32
      %broadcast_in_dim3A_150 = vector.broadcast %broadcast_in_dim3A_149 : i32 to vector<16x1xi32>
      %gather3A_151 = vector.shape_cast %broadcast_in_dim3A_150 : vector<16x1xi32> to vector<16xi32>
      %gather3A_152 = tpu.dynamic_gather %select_n3A_98[%gather3A_151] in [0] : vector<16xf32>, vector<16xi32> -> vector<16xf32>
      %add3A_153 = arith.constant 48 : i32
      %add3A_154 = arith.addi %mul3A_107, %add3A_153 : i32
      %mul3A_155 = arith.mulf %gather3A_152, %select_n3A_98 : vector<16xf32>
      %swap3A_156 = arith.index_cast %add3A_154 : i32 to index
      %swap3A_157 = tpu.vector_load %arg13[%swap3A_156] {strides = array<i32>} : memref<12288xf32, #tpu.memory_space<vmem>>, vector<16xf32>,
      tpu.vector_store %arg13[%swap3A_156], %mul3A_155 {add = true, strides = array<i32>} : memref<12288xf32, #tpu.memory_space<vmem>>, vector<16xf32>,
      %add3A_158 = arith.constant 288 : i32
      %add3A_159 = arith.addi %mul3A_107, %add3A_158 : i32
      %mul3A_160 = arith.mulf %gather3A_152, %select_n3A_105 : vector<16xf32>
      %swap3A_161 = arith.index_cast %add3A_159 : i32 to index
      %swap3A_162 = tpu.vector_load %arg13[%swap3A_161] {strides = array<i32>} : memref<12288xf32, #tpu.memory_space<vmem>>, vector<16xf32>,
      tpu.vector_store %arg13[%swap3A_161], %mul3A_160 {add = true, strides = array<i32>} : memref<12288xf32, #tpu.memory_space<vmem>>, vector<16xf32>,
      %broadcast_in_dim3A_163 = arith.constant 4 : i32
      %broadcast_in_dim3A_164 = vector.broadcast %broadcast_in_dim3A_163 : i32 to vector<16x1xi32>
      %gather3A_165 = vector.shape_cast %broadcast_in_dim3A_164 : vector<16x1xi32> to vector<16xi32>
      %gather3A_166 = tpu.dynamic_gather %select_n3A_98[%gather3A_165] in [0] : vector<16xf32>, vector<16xi32> -> vector<16xf32>
      %add3A_167 = arith.constant 64 : i32
      %add3A_168 = arith.addi %mul3A_107, %add3A_167 : i32
      %mul3A_169 = arith.mulf %gather3A_166, %select_n3A_98 : vector<16xf32>
      %swap3A_170 = arith.index_cast %add3A_168 : i32 to index
      %swap3A_171 = tpu.vector_load %arg13[%swap3A_170] {strides = array<i32>} : memref<12288xf32, #tpu.memory_space<vmem>>, vector<16xf32>,
      tpu.vector_store %arg13[%swap3A_170], %mul3A_169 {add = true, strides = array<i32>} : memref<12288xf32, #tpu.memory_space<vmem>>, vector<16xf32>,
      %add3A_172 = arith.constant 304 : i32
      %add3A_173 = arith.addi %mul3A_107, %add3A_172 : i32
      %mul3A_174 = arith.mulf %gather3A_166, %select_n3A_105 : vector<16xf32>
      %swap3A_175 = arith.index_cast %add3A_173 : i32 to index
      %swap3A_176 = tpu.vector_load %arg13[%swap3A_175] {strides = array<i32>} : memref<12288xf32, #tpu.memory_space<vmem>>, vector<16xf32>,
      tpu.vector_store %arg13[%swap3A_175], %mul3A_174 {add = true, strides = array<i32>} : memref<12288xf32, #tpu.memory_space<vmem>>, vector<16xf32>,
      %broadcast_in_dim3A_177 = arith.constant 5 : i32
      %broadcast_in_dim3A_178 = vector.broadcast %broadcast_in_dim3A_177 : i32 to vector<16x1xi32>
      %gather3A_179 = vector.shape_cast %broadcast_in_dim3A_178 : vector<16x1xi32> to vector<16xi32>
      %gather3A_180 = tpu.dynamic_gather %select_n3A_98[%gather3A_179] in [0] : vector<16xf32>, vector<16xi32> -> vector<16xf32>
      %add3A_181 = arith.constant 80 : i32
      %add3A_182 = arith.addi %mul3A_107, %add3A_181 : i32
      %mul3A_183 = arith.mulf %gather3A_180, %select_n3A_98 : vector<16xf32>
      %swap3A_184 = arith.index_cast %add3A_182 : i32 to index
      %swap3A_185 = tpu.vector_load %arg13[%swap3A_184] {strides = array<i32>} : memref<12288xf32, #tpu.memory_space<vmem>>, vector<16xf32>,
      tpu.vector_store %arg13[%swap3A_184], %mul3A_183 {add = true, strides = array<i32>} : memref<12288xf32, #tpu.memory_space<vmem>>, vector<16xf32>,
      %add3A_186 = arith.constant 320 : i32
      %add3A_187 = arith.addi %mul3A_107, %add3A_186 : i32
      %mul3A_188 = arith.mulf %gather3A_180, %select_n3A_105 : vector<16xf32>
      %swap3A_189 = arith.index_cast %add3A_187 : i32 to index
      %swap3A_190 = tpu.vector_load %arg13[%swap3A_189] {strides = array<i32>} : memref<12288xf32, #tpu.memory_space<vmem>>, vector<16xf32>,
      tpu.vector_store %arg13[%swap3A_189], %mul3A_188 {add = true, strides = array<i32>} : memref<12288xf32, #tpu.memory_space<vmem>>, vector<16xf32>,
      %broadcast_in_dim3A_191 = arith.constant 6 : i32
      %broadcast_in_dim3A_192 = vector.broadcast %broadcast_in_dim3A_191 : i32 to vector<16x1xi32>
      %gather3A_193 = vector.shape_cast %broadcast_in_dim3A_192 : vector<16x1xi32> to vector<16xi32>
      %gather3A_194 = tpu.dynamic_gather %select_n3A_98[%gather3A_193] in [0] : vector<16xf32>, vector<16xi32> -> vector<16xf32>
      %add3A_195 = arith.constant 96 : i32
      %add3A_196 = arith.addi %mul3A_107, %add3A_195 : i32
      %mul3A_197 = arith.mulf %gather3A_194, %select_n3A_98 : vector<16xf32>
      %swap3A_198 = arith.index_cast %add3A_196 : i32 to index
      %swap3A_199 = tpu.vector_load %arg13[%swap3A_198] {strides = array<i32>} : memref<12288xf32, #tpu.memory_space<vmem>>, vector<16xf32>,
      tpu.vector_store %arg13[%swap3A_198], %mul3A_197 {add = true, strides = array<i32>} : memref<12288xf32, #tpu.memory_space<vmem>>, vector<16xf32>,
      %add3A_200 = arith.constant 336 : i32
      %add3A_201 = arith.addi %mul3A_107, %add3A_200 : i32
      %mul3A_202 = arith.mulf %gather3A_194, %select_n3A_105 : vector<16xf32>
      %swap3A_203 = arith.index_cast %add3A_201 : i32 to index
      %swap3A_204 = tpu.vector_load %arg13[%swap3A_203] {strides = array<i32>} : memref<12288xf32, #tpu.memory_space<vmem>>, vector<16xf32>,
      tpu.vector_store %arg13[%swap3A_203], %mul3A_202 {add = true, strides = array<i32>} : memref<12288xf32, #tpu.memory_space<vmem>>, vector<16xf32>,
      %broadcast_in_dim3A_205 = arith.constant 7 : i32
      %broadcast_in_dim3A_206 = vector.broadcast %broadcast_in_dim3A_205 : i32 to vector<16x1xi32>
      %gather3A_207 = vector.shape_cast %broadcast_in_dim3A_206 : vector<16x1xi32> to vector<16xi32>
      %gather3A_208 = tpu.dynamic_gather %select_n3A_98[%gather3A_207] in [0] : vector<16xf32>, vector<16xi32> -> vector<16xf32>
      %add3A_209 = arith.constant 112 : i32
      %add3A_210 = arith.addi %mul3A_107, %add3A_209 : i32
      %mul3A_211 = arith.mulf %gather3A_208, %select_n3A_98 : vector<16xf32>
      %swap3A_212 = arith.index_cast %add3A_210 : i32 to index
      %swap3A_213 = tpu.vector_load %arg13[%swap3A_212] {strides = array<i32>} : memref<12288xf32, #tpu.memory_space<vmem>>, vector<16xf32>,
      tpu.vector_store %arg13[%swap3A_212], %mul3A_211 {add = true, strides = array<i32>} : memref<12288xf32, #tpu.memory_space<vmem>>, vector<16xf32>,
      %add3A_214 = arith.constant 352 : i32
      %add3A_215 = arith.addi %mul3A_107, %add3A_214 : i32
      %mul3A_216 = arith.mulf %gather3A_208, %select_n3A_105 : vector<16xf32>
      %swap3A_217 = arith.index_cast %add3A_215 : i32 to index
      %swap3A_218 = tpu.vector_load %arg13[%swap3A_217] {strides = array<i32>} : memref<12288xf32, #tpu.memory_space<vmem>>, vector<16xf32>,
      tpu.vector_store %arg13[%swap3A_217], %mul3A_216 {add = true, strides = array<i32>} : memref<12288xf32, #tpu.memory_space<vmem>>, vector<16xf32>,
      %broadcast_in_dim3A_219 = arith.constant 8 : i32
      %broadcast_in_dim3A_220 = vector.broadcast %broadcast_in_dim3A_219 : i32 to vector<16x1xi32>
      %gather3A_221 = vector.shape_cast %broadcast_in_dim3A_220 : vector<16x1xi32> to vector<16xi32>
      %gather3A_222 = tpu.dynamic_gather %select_n3A_98[%gather3A_221] in [0] : vector<16xf32>, vector<16xi32> -> vector<16xf32>
      %add3A_223 = arith.constant 128 : i32
      %add3A_224 = arith.addi %mul3A_107, %add3A_223 : i32
      %mul3A_225 = arith.mulf %gather3A_222, %select_n3A_98 : vector<16xf32>
      %swap3A_226 = arith.index_cast %add3A_224 : i32 to index
      %swap3A_227 = tpu.vector_load %arg13[%swap3A_226] {strides = array<i32>} : memref<12288xf32, #tpu.memory_space<vmem>>, vector<16xf32>,
      tpu.vector_store %arg13[%swap3A_226], %mul3A_225 {add = true, strides = array<i32>} : memref<12288xf32, #tpu.memory_space<vmem>>, vector<16xf32>,
      %add3A_228 = arith.constant 368 : i32
      %add3A_229 = arith.addi %mul3A_107, %add3A_228 : i32
      %mul3A_230 = arith.mulf %gather3A_222, %select_n3A_105 : vector<16xf32>
      %swap3A_231 = arith.index_cast %add3A_229 : i32 to index
      %swap3A_232 = tpu.vector_load %arg13[%swap3A_231] {strides = array<i32>} : memref<12288xf32, #tpu.memory_space<vmem>>, vector<16xf32>,
      tpu.vector_store %arg13[%swap3A_231], %mul3A_230 {add = true, strides = array<i32>} : memref<12288xf32, #tpu.memory_space<vmem>>, vector<16xf32>,
      %broadcast_in_dim3A_233 = arith.constant 9 : i32
      %broadcast_in_dim3A_234 = vector.broadcast %broadcast_in_dim3A_233 : i32 to vector<16x1xi32>
      %gather3A_235 = vector.shape_cast %broadcast_in_dim3A_234 : vector<16x1xi32> to vector<16xi32>
      %gather3A_236 = tpu.dynamic_gather %select_n3A_98[%gather3A_235] in [0] : vector<16xf32>, vector<16xi32> -> vector<16xf32>
      %add3A_237 = arith.constant 144 : i32
      %add3A_238 = arith.addi %mul3A_107, %add3A_237 : i32
      %mul3A_239 = arith.mulf %gather3A_236, %select_n3A_98 : vector<16xf32>
      %swap3A_240 = arith.index_cast %add3A_238 : i32 to index
      %swap3A_241 = tpu.vector_load %arg13[%swap3A_240] {strides = array<i32>} : memref<12288xf32, #tpu.memory_space<vmem>>, vector<16xf32>,
      tpu.vector_store %arg13[%swap3A_240], %mul3A_239 {add = true, strides = array<i32>} : memref<12288xf32, #tpu.memory_space<vmem>>, vector<16xf32>,
      %add3A_242 = arith.constant 384 : i32
      %add3A_243 = arith.addi %mul3A_107, %add3A_242 : i32
      %mul3A_244 = arith.mulf %gather3A_236, %select_n3A_105 : vector<16xf32>
      %swap3A_245 = arith.index_cast %add3A_243 : i32 to index
      %swap3A_246 = tpu.vector_load %arg13[%swap3A_245] {strides = array<i32>} : memref<12288xf32, #tpu.memory_space<vmem>>, vector<16xf32>,
      tpu.vector_store %arg13[%swap3A_245], %mul3A_244 {add = true, strides = array<i32>} : memref<12288xf32, #tpu.memory_space<vmem>>, vector<16xf32>,
      %broadcast_in_dim3A_247 = arith.constant 10 : i32
      %broadcast_in_dim3A_248 = vector.broadcast %broadcast_in_dim3A_247 : i32 to vector<16x1xi32>
      %gather3A_249 = vector.shape_cast %broadcast_in_dim3A_248 : vector<16x1xi32> to vector<16xi32>
      %gather3A_250 = tpu.dynamic_gather %select_n3A_98[%gather3A_249] in [0] : vector<16xf32>, vector<16xi32> -> vector<16xf32>
      %add3A_251 = arith.constant 160 : i32
      %add3A_252 = arith.addi %mul3A_107, %add3A_251 : i32
      %mul3A_253 = arith.mulf %gather3A_250, %select_n3A_98 : vector<16xf32>
      %swap3A_254 = arith.index_cast %add3A_252 : i32 to index
      %swap3A_255 = tpu.vector_load %arg13[%swap3A_254] {strides = array<i32>} : memref<12288xf32, #tpu.memory_space<vmem>>, vector<16xf32>,
      tpu.vector_store %arg13[%swap3A_254], %mul3A_253 {add = true, strides = array<i32>} : memref<12288xf32, #tpu.memory_space<vmem>>, vector<16xf32>,
      %add3A_256 = arith.constant 400 : i32
      %add3A_257 = arith.addi %mul3A_107, %add3A_256 : i32
      %mul3A_258 = arith.mulf %gather3A_250, %select_n3A_105 : vector<16xf32>
      %swap3A_259 = arith.index_cast %add3A_257 : i32 to index
      %swap3A_260 = tpu.vector_load %arg13[%swap3A_259] {strides = array<i32>} : memref<12288xf32, #tpu.memory_space<vmem>>, vector<16xf32>,
      tpu.vector_store %arg13[%swap3A_259], %mul3A_258 {add = true, strides = array<i32>} : memref<12288xf32, #tpu.memory_space<vmem>>, vector<16xf32>,
      %broadcast_in_dim3A_261 = arith.constant 11 : i32
      %broadcast_in_dim3A_262 = vector.broadcast %broadcast_in_dim3A_261 : i32 to vector<16x1xi32>
      %gather3A_263 = vector.shape_cast %broadcast_in_dim3A_262 : vector<16x1xi32> to vector<16xi32>
      %gather3A_264 = tpu.dynamic_gather %select_n3A_98[%gather3A_263] in [0] : vector<16xf32>, vector<16xi32> -> vector<16xf32>
      %add3A_265 = arith.constant 176 : i32
      %add3A_266 = arith.addi %mul3A_107, %add3A_265 : i32
      %mul3A_267 = arith.mulf %gather3A_264, %select_n3A_98 : vector<16xf32>
      %swap3A_268 = arith.index_cast %add3A_266 : i32 to index
      %swap3A_269 = tpu.vector_load %arg13[%swap3A_268] {strides = array<i32>} : memref<12288xf32, #tpu.memory_space<vmem>>, vector<16xf32>,
      tpu.vector_store %arg13[%swap3A_268], %mul3A_267 {add = true, strides = array<i32>} : memref<12288xf32, #tpu.memory_space<vmem>>, vector<16xf32>,
      %add3A_270 = arith.constant 416 : i32
      %add3A_271 = arith.addi %mul3A_107, %add3A_270 : i32
      %mul3A_272 = arith.mulf %gather3A_264, %select_n3A_105 : vector<16xf32>
      %swap3A_273 = arith.index_cast %add3A_271 : i32 to index
      %swap3A_274 = tpu.vector_load %arg13[%swap3A_273] {strides = array<i32>} : memref<12288xf32, #tpu.memory_space<vmem>>, vector<16xf32>,
      tpu.vector_store %arg13[%swap3A_273], %mul3A_272 {add = true, strides = array<i32>} : memref<12288xf32, #tpu.memory_space<vmem>>, vector<16xf32>,
      %broadcast_in_dim3A_275 = arith.constant 12 : i32
      %broadcast_in_dim3A_276 = vector.broadcast %broadcast_in_dim3A_275 : i32 to vector<16x1xi32>
      %gather3A_277 = vector.shape_cast %broadcast_in_dim3A_276 : vector<16x1xi32> to vector<16xi32>
      %gather3A_278 = tpu.dynamic_gather %select_n3A_98[%gather3A_277] in [0] : vector<16xf32>, vector<16xi32> -> vector<16xf32>
      %add3A_279 = arith.constant 192 : i32
      %add3A_280 = arith.addi %mul3A_107, %add3A_279 : i32
      %mul3A_281 = arith.mulf %gather3A_278, %select_n3A_98 : vector<16xf32>
      %swap3A_282 = arith.index_cast %add3A_280 : i32 to index
      %swap3A_283 = tpu.vector_load %arg13[%swap3A_282] {strides = array<i32>} : memref<12288xf32, #tpu.memory_space<vmem>>, vector<16xf32>,
      tpu.vector_store %arg13[%swap3A_282], %mul3A_281 {add = true, strides = array<i32>} : memref<12288xf32, #tpu.memory_space<vmem>>, vector<16xf32>,
      %add3A_284 = arith.constant 432 : i32
      %add3A_285 = arith.addi %mul3A_107, %add3A_284 : i32
      %mul3A_286 = arith.mulf %gather3A_278, %select_n3A_105 : vector<16xf32>
      %swap3A_287 = arith.index_cast %add3A_285 : i32 to index
      %swap3A_288 = tpu.vector_load %arg13[%swap3A_287] {strides = array<i32>} : memref<12288xf32, #tpu.memory_space<vmem>>, vector<16xf32>,
      tpu.vector_store %arg13[%swap3A_287], %mul3A_286 {add = true, strides = array<i32>} : memref<12288xf32, #tpu.memory_space<vmem>>, vector<16xf32>,
      %broadcast_in_dim3A_289 = arith.constant 13 : i32
      %broadcast_in_dim3A_290 = vector.broadcast %broadcast_in_dim3A_289 : i32 to vector<16x1xi32>
      %gather3A_291 = vector.shape_cast %broadcast_in_dim3A_290 : vector<16x1xi32> to vector<16xi32>
      %gather3A_292 = tpu.dynamic_gather %select_n3A_98[%gather3A_291] in [0] : vector<16xf32>, vector<16xi32> -> vector<16xf32>
      %add3A_293 = arith.constant 208 : i32
      %add3A_294 = arith.addi %mul3A_107, %add3A_293 : i32
      %mul3A_295 = arith.mulf %gather3A_292, %select_n3A_98 : vector<16xf32>
      %swap3A_296 = arith.index_cast %add3A_294 : i32 to index
      %swap3A_297 = tpu.vector_load %arg13[%swap3A_296] {strides = array<i32>} : memref<12288xf32, #tpu.memory_space<vmem>>, vector<16xf32>,
      tpu.vector_store %arg13[%swap3A_296], %mul3A_295 {add = true, strides = array<i32>} : memref<12288xf32, #tpu.memory_space<vmem>>, vector<16xf32>,
      %add3A_298 = arith.constant 448 : i32
      %add3A_299 = arith.addi %mul3A_107, %add3A_298 : i32
      %mul3A_300 = arith.mulf %gather3A_292, %select_n3A_105 : vector<16xf32>
      %swap3A_301 = arith.index_cast %add3A_299 : i32 to index
      %swap3A_302 = tpu.vector_load %arg13[%swap3A_301] {strides = array<i32>} : memref<12288xf32, #tpu.memory_space<vmem>>, vector<16xf32>,
      tpu.vector_store %arg13[%swap3A_301], %mul3A_300 {add = true, strides = array<i32>} : memref<12288xf32, #tpu.memory_space<vmem>>, vector<16xf32>,
      %broadcast_in_dim3A_303 = arith.constant 14 : i32
      %broadcast_in_dim3A_304 = vector.broadcast %broadcast_in_dim3A_303 : i32 to vector<16x1xi32>
      %gather3A_305 = vector.shape_cast %broadcast_in_dim3A_304 : vector<16x1xi32> to vector<16xi32>
      %gather3A_306 = tpu.dynamic_gather %select_n3A_98[%gather3A_305] in [0] : vector<16xf32>, vector<16xi32> -> vector<16xf32>
      %add3A_307 = arith.constant 224 : i32
      %add3A_308 = arith.addi %mul3A_107, %add3A_307 : i32
      %mul3A_309 = arith.mulf %gather3A_306, %select_n3A_98 : vector<16xf32>
      %swap3A_310 = arith.index_cast %add3A_308 : i32 to index
      %swap3A_311 = tpu.vector_load %arg13[%swap3A_310] {strides = array<i32>} : memref<12288xf32, #tpu.memory_space<vmem>>, vector<16xf32>,
      tpu.vector_store %arg13[%swap3A_310], %mul3A_309 {add = true, strides = array<i32>} : memref<12288xf32, #tpu.memory_space<vmem>>, vector<16xf32>,
      %add3A_312 = arith.constant 464 : i32
      %add3A_313 = arith.addi %mul3A_107, %add3A_312 : i32
      %mul3A_314 = arith.mulf %gather3A_306, %select_n3A_105 : vector<16xf32>
      %swap3A_315 = arith.index_cast %add3A_313 : i32 to index
      %swap3A_316 = tpu.vector_load %arg13[%swap3A_315] {strides = array<i32>} : memref<12288xf32, #tpu.memory_space<vmem>>, vector<16xf32>,
      tpu.vector_store %arg13[%swap3A_315], %mul3A_314 {add = true, strides = array<i32>} : memref<12288xf32, #tpu.memory_space<vmem>>, vector<16xf32>,
      %broadcast_in_dim3A_317 = arith.constant 0 : i32
      %broadcast_in_dim3A_318 = vector.broadcast %broadcast_in_dim3A_317 : i32 to vector<16x1xi32>
      %gather3A_319 = vector.shape_cast %broadcast_in_dim3A_318 : vector<16x1xi32> to vector<16xi32>
      %gather3A_320 = tpu.dynamic_gather %select_n3A_105[%gather3A_319] in [0] : vector<16xf32>, vector<16xi32> -> vector<16xf32>
      %add3A_321 = arith.constant 480 : i32
      %add3A_322 = arith.addi %mul3A_107, %add3A_321 : i32
      %mul3A_323 = arith.mulf %gather3A_320, %select_n3A_105 : vector<16xf32>
      %swap3A_324 = arith.index_cast %add3A_322 : i32 to index
      %swap3A_325 = tpu.vector_load %arg13[%swap3A_324] {strides = array<i32>} : memref<12288xf32, #tpu.memory_space<vmem>>, vector<16xf32>,
      tpu.vector_store %arg13[%swap3A_324], %mul3A_323 {add = true, strides = array<i32>} : memref<12288xf32, #tpu.memory_space<vmem>>, vector<16xf32>,
      %broadcast_in_dim3A_326 = arith.constant 1 : i32
      %broadcast_in_dim3A_327 = vector.broadcast %broadcast_in_dim3A_326 : i32 to vector<16x1xi32>
      %gather3A_328 = vector.shape_cast %broadcast_in_dim3A_327 : vector<16x1xi32> to vector<16xi32>
      %gather3A_329 = tpu.dynamic_gather %select_n3A_105[%gather3A_328] in [0] : vector<16xf32>, vector<16xi32> -> vector<16xf32>
      %add3A_330 = arith.constant 496 : i32
      %add3A_331 = arith.addi %mul3A_107, %add3A_330 : i32
      %mul3A_332 = arith.mulf %gather3A_329, %select_n3A_105 : vector<16xf32>
      %swap3A_333 = arith.index_cast %add3A_331 : i32 to index
      %swap3A_334 = tpu.vector_load %arg13[%swap3A_333] {strides = array<i32>} : memref<12288xf32, #tpu.memory_space<vmem>>, vector<16xf32>,
      tpu.vector_store %arg13[%swap3A_333], %mul3A_332 {add = true, strides = array<i32>} : memref<12288xf32, #tpu.memory_space<vmem>>, vector<16xf32>,
      %broadcast_in_dim3A_335 = arith.constant 2 : i32
      %broadcast_in_dim3A_336 = vector.broadcast %broadcast_in_dim3A_335 : i32 to vector<16x1xi32>
      %gather3A_337 = vector.shape_cast %broadcast_in_dim3A_336 : vector<16x1xi32> to vector<16xi32>
      %gather3A_338 = tpu.dynamic_gather %select_n3A_105[%gather3A_337] in [0] : vector<16xf32>, vector<16xi32> -> vector<16xf32>
      %add3A_339 = arith.constant 512 : i32
      %add3A_340 = arith.addi %mul3A_107, %add3A_339 : i32
      %mul3A_341 = arith.mulf %gather3A_338, %select_n3A_105 : vector<16xf32>
      %swap3A_342 = arith.index_cast %add3A_340 : i32 to index
      %swap3A_343 = tpu.vector_load %arg13[%swap3A_342] {strides = array<i32>} : memref<12288xf32, #tpu.memory_space<vmem>>, vector<16xf32>,
      tpu.vector_store %arg13[%swap3A_342], %mul3A_341 {add = true, strides = array<i32>} : memref<12288xf32, #tpu.memory_space<vmem>>, vector<16xf32>,
      %broadcast_in_dim3A_344 = arith.constant 3 : i32
      %broadcast_in_dim3A_345 = vector.broadcast %broadcast_in_dim3A_344 : i32 to vector<16x1xi32>
      %gather3A_346 = vector.shape_cast %broadcast_in_dim3A_345 : vector<16x1xi32> to vector<16xi32>
      %gather3A_347 = tpu.dynamic_gather %select_n3A_105[%gather3A_346] in [0] : vector<16xf32>, vector<16xi32> -> vector<16xf32>
      %add3A_348 = arith.constant 528 : i32
      %add3A_349 = arith.addi %mul3A_107, %add3A_348 : i32
      %mul3A_350 = arith.mulf %gather3A_347, %select_n3A_105 : vector<16xf32>
      %swap3A_351 = arith.index_cast %add3A_349 : i32 to index
      %swap3A_352 = tpu.vector_load %arg13[%swap3A_351] {strides = array<i32>} : memref<12288xf32, #tpu.memory_space<vmem>>, vector<16xf32>,
      tpu.vector_store %arg13[%swap3A_351], %mul3A_350 {add = true, strides = array<i32>} : memref<12288xf32, #tpu.memory_space<vmem>>, vector<16xf32>,
      %broadcast_in_dim3A_353 = arith.constant 4 : i32
      %broadcast_in_dim3A_354 = vector.broadcast %broadcast_in_dim3A_353 : i32 to vector<16x1xi32>
      %gather3A_355 = vector.shape_cast %broadcast_in_dim3A_354 : vector<16x1xi32> to vector<16xi32>
      %gather3A_356 = tpu.dynamic_gather %select_n3A_105[%gather3A_355] in [0] : vector<16xf32>, vector<16xi32> -> vector<16xf32>
      %add3A_357 = arith.constant 544 : i32
      %add3A_358 = arith.addi %mul3A_107, %add3A_357 : i32
      %mul3A_359 = arith.mulf %gather3A_356, %select_n3A_105 : vector<16xf32>
      %swap3A_360 = arith.index_cast %add3A_358 : i32 to index
      %swap3A_361 = tpu.vector_load %arg13[%swap3A_360] {strides = array<i32>} : memref<12288xf32, #tpu.memory_space<vmem>>, vector<16xf32>,
      tpu.vector_store %arg13[%swap3A_360], %mul3A_359 {add = true, strides = array<i32>} : memref<12288xf32, #tpu.memory_space<vmem>>, vector<16xf32>,
      %broadcast_in_dim3A_362 = arith.constant 5 : i32
      %broadcast_in_dim3A_363 = vector.broadcast %broadcast_in_dim3A_362 : i32 to vector<16x1xi32>
      %gather3A_364 = vector.shape_cast %broadcast_in_dim3A_363 : vector<16x1xi32> to vector<16xi32>
      %gather3A_365 = tpu.dynamic_gather %select_n3A_105[%gather3A_364] in [0] : vector<16xf32>, vector<16xi32> -> vector<16xf32>
      %add3A_366 = arith.constant 560 : i32
      %add3A_367 = arith.addi %mul3A_107, %add3A_366 : i32
      %mul3A_368 = arith.mulf %gather3A_365, %select_n3A_105 : vector<16xf32>
      %swap3A_369 = arith.index_cast %add3A_367 : i32 to index
      %swap3A_370 = tpu.vector_load %arg13[%swap3A_369] {strides = array<i32>} : memref<12288xf32, #tpu.memory_space<vmem>>, vector<16xf32>,
      tpu.vector_store %arg13[%swap3A_369], %mul3A_368 {add = true, strides = array<i32>} : memref<12288xf32, #tpu.memory_space<vmem>>, vector<16xf32>,
      %broadcast_in_dim3A_371 = arith.constant 6 : i32
      %broadcast_in_dim3A_372 = vector.broadcast %broadcast_in_dim3A_371 : i32 to vector<16x1xi32>
      %gather3A_373 = vector.shape_cast %broadcast_in_dim3A_372 : vector<16x1xi32> to vector<16xi32>
      %gather3A_374 = tpu.dynamic_gather %select_n3A_105[%gather3A_373] in [0] : vector<16xf32>, vector<16xi32> -> vector<16xf32>
      %add3A_375 = arith.constant 576 : i32
      %add3A_376 = arith.addi %mul3A_107, %add3A_375 : i32
      %mul3A_377 = arith.mulf %gather3A_374, %select_n3A_105 : vector<16xf32>
      %swap3A_378 = arith.index_cast %add3A_376 : i32 to index
      %swap3A_379 = tpu.vector_load %arg13[%swap3A_378] {strides = array<i32>} : memref<12288xf32, #tpu.memory_space<vmem>>, vector<16xf32>,
      tpu.vector_store %arg13[%swap3A_378], %mul3A_377 {add = true, strides = array<i32>} : memref<12288xf32, #tpu.memory_space<vmem>>, vector<16xf32>,
      %broadcast_in_dim3A_380 = arith.constant 7 : i32
      %broadcast_in_dim3A_381 = vector.broadcast %broadcast_in_dim3A_380 : i32 to vector<16x1xi32>
      %gather3A_382 = vector.shape_cast %broadcast_in_dim3A_381 : vector<16x1xi32> to vector<16xi32>
      %gather3A_383 = tpu.dynamic_gather %select_n3A_105[%gather3A_382] in [0] : vector<16xf32>, vector<16xi32> -> vector<16xf32>
      %add3A_384 = arith.constant 592 : i32
      %add3A_385 = arith.addi %mul3A_107, %add3A_384 : i32
      %mul3A_386 = arith.mulf %gather3A_383, %select_n3A_105 : vector<16xf32>
      %swap3A_387 = arith.index_cast %add3A_385 : i32 to index
      %swap3A_388 = tpu.vector_load %arg13[%swap3A_387] {strides = array<i32>} : memref<12288xf32, #tpu.memory_space<vmem>>, vector<16xf32>,
      tpu.vector_store %arg13[%swap3A_387], %mul3A_386 {add = true, strides = array<i32>} : memref<12288xf32, #tpu.memory_space<vmem>>, vector<16xf32>,
      %broadcast_in_dim3A_389 = arith.constant 8 : i32
      %broadcast_in_dim3A_390 = vector.broadcast %broadcast_in_dim3A_389 : i32 to vector<16x1xi32>
      %gather3A_391 = vector.shape_cast %broadcast_in_dim3A_390 : vector<16x1xi32> to vector<16xi32>
      %gather3A_392 = tpu.dynamic_gather %select_n3A_105[%gather3A_391] in [0] : vector<16xf32>, vector<16xi32> -> vector<16xf32>
      %add3A_393 = arith.constant 608 : i32
      %add3A_394 = arith.addi %mul3A_107, %add3A_393 : i32
      %mul3A_395 = arith.mulf %gather3A_392, %select_n3A_105 : vector<16xf32>
      %swap3A_396 = arith.index_cast %add3A_394 : i32 to index
      %swap3A_397 = tpu.vector_load %arg13[%swap3A_396] {strides = array<i32>} : memref<12288xf32, #tpu.memory_space<vmem>>, vector<16xf32>,
      tpu.vector_store %arg13[%swap3A_396], %mul3A_395 {add = true, strides = array<i32>} : memref<12288xf32, #tpu.memory_space<vmem>>, vector<16xf32>,
      %broadcast_in_dim3A_398 = arith.constant 9 : i32
      %broadcast_in_dim3A_399 = vector.broadcast %broadcast_in_dim3A_398 : i32 to vector<16x1xi32>
      %gather3A_400 = vector.shape_cast %broadcast_in_dim3A_399 : vector<16x1xi32> to vector<16xi32>
      %gather3A_401 = tpu.dynamic_gather %select_n3A_105[%gather3A_400] in [0] : vector<16xf32>, vector<16xi32> -> vector<16xf32>
      %add3A_402 = arith.constant 624 : i32
      %add3A_403 = arith.addi %mul3A_107, %add3A_402 : i32
      %mul3A_404 = arith.mulf %gather3A_401, %select_n3A_105 : vector<16xf32>
      %swap3A_405 = arith.index_cast %add3A_403 : i32 to index
      %swap3A_406 = tpu.vector_load %arg13[%swap3A_405] {strides = array<i32>} : memref<12288xf32, #tpu.memory_space<vmem>>, vector<16xf32>,
      tpu.vector_store %arg13[%swap3A_405], %mul3A_404 {add = true, strides = array<i32>} : memref<12288xf32, #tpu.memory_space<vmem>>, vector<16xf32>,
      %broadcast_in_dim3A_407 = arith.constant 10 : i32
      %broadcast_in_dim3A_408 = vector.broadcast %broadcast_in_dim3A_407 : i32 to vector<16x1xi32>
      %gather3A_409 = vector.shape_cast %broadcast_in_dim3A_408 : vector<16x1xi32> to vector<16xi32>
      %gather3A_410 = tpu.dynamic_gather %select_n3A_105[%gather3A_409] in [0] : vector<16xf32>, vector<16xi32> -> vector<16xf32>
      %add3A_411 = arith.constant 640 : i32
      %add3A_412 = arith.addi %mul3A_107, %add3A_411 : i32
      %mul3A_413 = arith.mulf %gather3A_410, %select_n3A_105 : vector<16xf32>
      %swap3A_414 = arith.index_cast %add3A_412 : i32 to index
      %swap3A_415 = tpu.vector_load %arg13[%swap3A_414] {strides = array<i32>} : memref<12288xf32, #tpu.memory_space<vmem>>, vector<16xf32>,
      tpu.vector_store %arg13[%swap3A_414], %mul3A_413 {add = true, strides = array<i32>} : memref<12288xf32, #tpu.memory_space<vmem>>, vector<16xf32>,
      %broadcast_in_dim3A_416 = arith.constant 11 : i32
      %broadcast_in_dim3A_417 = vector.broadcast %broadcast_in_dim3A_416 : i32 to vector<16x1xi32>
      %gather3A_418 = vector.shape_cast %broadcast_in_dim3A_417 : vector<16x1xi32> to vector<16xi32>
      %gather3A_419 = tpu.dynamic_gather %select_n3A_105[%gather3A_418] in [0] : vector<16xf32>, vector<16xi32> -> vector<16xf32>
      %add3A_420 = arith.constant 656 : i32
      %add3A_421 = arith.addi %mul3A_107, %add3A_420 : i32
      %mul3A_422 = arith.mulf %gather3A_419, %select_n3A_105 : vector<16xf32>
      %swap3A_423 = arith.index_cast %add3A_421 : i32 to index
      %swap3A_424 = tpu.vector_load %arg13[%swap3A_423] {strides = array<i32>} : memref<12288xf32, #tpu.memory_space<vmem>>, vector<16xf32>,
      tpu.vector_store %arg13[%swap3A_423], %mul3A_422 {add = true, strides = array<i32>} : memref<12288xf32, #tpu.memory_space<vmem>>, vector<16xf32>,
      %broadcast_in_dim3A_425 = arith.constant 12 : i32
      %broadcast_in_dim3A_426 = vector.broadcast %broadcast_in_dim3A_425 : i32 to vector<16x1xi32>
      %gather3A_427 = vector.shape_cast %broadcast_in_dim3A_426 : vector<16x1xi32> to vector<16xi32>
      %gather3A_428 = tpu.dynamic_gather %select_n3A_105[%gather3A_427] in [0] : vector<16xf32>, vector<16xi32> -> vector<16xf32>
      %add3A_429 = arith.constant 672 : i32
      %add3A_430 = arith.addi %mul3A_107, %add3A_429 : i32
      %mul3A_431 = arith.mulf %gather3A_428, %select_n3A_105 : vector<16xf32>
      %swap3A_432 = arith.index_cast %add3A_430 : i32 to index
      %swap3A_433 = tpu.vector_load %arg13[%swap3A_432] {strides = array<i32>} : memref<12288xf32, #tpu.memory_space<vmem>>, vector<16xf32>,
      tpu.vector_store %arg13[%swap3A_432], %mul3A_431 {add = true, strides = array<i32>} : memref<12288xf32, #tpu.memory_space<vmem>>, vector<16xf32>,
      %broadcast_in_dim3A_434 = arith.constant 13 : i32
      %broadcast_in_dim3A_435 = vector.broadcast %broadcast_in_dim3A_434 : i32 to vector<16x1xi32>
      %gather3A_436 = vector.shape_cast %broadcast_in_dim3A_435 : vector<16x1xi32> to vector<16xi32>
      %gather3A_437 = tpu.dynamic_gather %select_n3A_105[%gather3A_436] in [0] : vector<16xf32>, vector<16xi32> -> vector<16xf32>
      %add3A_438 = arith.constant 688 : i32
      %add3A_439 = arith.addi %mul3A_107, %add3A_438 : i32
      %mul3A_440 = arith.mulf %gather3A_437, %select_n3A_105 : vector<16xf32>
      %swap3A_441 = arith.index_cast %add3A_439 : i32 to index
      %swap3A_442 = tpu.vector_load %arg13[%swap3A_441] {strides = array<i32>} : memref<12288xf32, #tpu.memory_space<vmem>>, vector<16xf32>,
      tpu.vector_store %arg13[%swap3A_441], %mul3A_440 {add = true, strides = array<i32>} : memref<12288xf32, #tpu.memory_space<vmem>>, vector<16xf32>,
      %add3A_443 = arith.constant 1 : i32
      %add3A_444 = arith.addi %mul3A_84, %add3A_443 : i32
      %slice3A_445 = vector.extract_strided_slice %add3A_91 {offsets = [1], sizes = [1], strides = [1]} : vector<16xi32> to vector<1xi32>
      %squeeze3A_446 = vector.extract %slice3A_445[0] : i32 from vector<1xi32>
      %mul3A_447 = arith.constant 14 : i32
      %mul3A_448 = arith.muli %add3A_444, %mul3A_447 : i32
      %get3A_449 = arith.index_cast %mul3A_448 : i32 to index
      %get3A_450 = tpu.vector_load %arg8[%get3A_449] {strides = array<i32>} : memref<14352xf32, #tpu.memory_space<vmem>>, vector<16xf32>,
      %select_n3A_451 = arith.select %lt3A_61, %get3A_450, %select_n3A : vector<16xi1>, vector<16xf32>
      %mul3A_452 = arith.constant 14 : i32
      %mul3A_453 = arith.muli %add3A_444, %mul3A_452 : i32
      %get3A_454 = arith.index_cast %mul3A_453 : i32 to index
      %get3A_455 = tpu.vector_load %arg9[%get3A_454] {strides = array<i32>} : memref<14352xf32, #tpu.memory_space<vmem>>, vector<16xf32>,
      %jit3A_456 = arith.constant 0.000000e+00 : f32
      %broadcast_in_dim3A_457 = vector.broadcast %jit3A_456 : f32 to vector<16xf32>
      %select_n3A_458 = arith.select %lt3A_61, %get3A_455, %broadcast_in_dim3A_457 : vector<16xi1>, vector<16xf32>
      %mul3A_459 = arith.constant 768 : i32
      %mul3A_460 = arith.muli %squeeze3A_446, %mul3A_459 : i32
      %broadcast_in_dim3A_461 = arith.constant 0 : i32
      %broadcast_in_dim3A_462 = vector.broadcast %broadcast_in_dim3A_461 : i32 to vector<16x1xi32>
      %gather3A_463 = vector.shape_cast %broadcast_in_dim3A_462 : vector<16x1xi32> to vector<16xi32>
      %gather3A_464 = tpu.dynamic_gather %select_n3A_451[%gather3A_463] in [0] : vector<16xf32>, vector<16xi32> -> vector<16xf32>
      %add3A_465 = arith.constant 0 : i32
      %add3A_466 = arith.addi %mul3A_460, %add3A_465 : i32
      %mul3A_467 = arith.mulf %gather3A_464, %select_n3A_451 : vector<16xf32>
      %swap3A_468 = arith.index_cast %add3A_466 : i32 to index
      %swap3A_469 = tpu.vector_load %arg13[%swap3A_468] {strides = array<i32>} : memref<12288xf32, #tpu.memory_space<vmem>>, vector<16xf32>,
      tpu.vector_store %arg13[%swap3A_468], %mul3A_467 {add = true, strides = array<i32>} : memref<12288xf32, #tpu.memory_space<vmem>>, vector<16xf32>,
      %add3A_470 = arith.constant 240 : i32
      %add3A_471 = arith.addi %mul3A_460, %add3A_470 : i32
      %mul3A_472 = arith.mulf %gather3A_464, %select_n3A_458 : vector<16xf32>
      %swap3A_473 = arith.index_cast %add3A_471 : i32 to index
      %swap3A_474 = tpu.vector_load %arg13[%swap3A_473] {strides = array<i32>} : memref<12288xf32, #tpu.memory_space<vmem>>, vector<16xf32>,
      tpu.vector_store %arg13[%swap3A_473], %mul3A_472 {add = true, strides = array<i32>} : memref<12288xf32, #tpu.memory_space<vmem>>, vector<16xf32>,
      %broadcast_in_dim3A_475 = arith.constant 1 : i32
      %broadcast_in_dim3A_476 = vector.broadcast %broadcast_in_dim3A_475 : i32 to vector<16x1xi32>
      %gather3A_477 = vector.shape_cast %broadcast_in_dim3A_476 : vector<16x1xi32> to vector<16xi32>
      %gather3A_478 = tpu.dynamic_gather %select_n3A_451[%gather3A_477] in [0] : vector<16xf32>, vector<16xi32> -> vector<16xf32>
      %add3A_479 = arith.constant 16 : i32
      %add3A_480 = arith.addi %mul3A_460, %add3A_479 : i32
      %mul3A_481 = arith.mulf %gather3A_478, %select_n3A_451 : vector<16xf32>
      %swap3A_482 = arith.index_cast %add3A_480 : i32 to index
      %swap3A_483 = tpu.vector_load %arg13[%swap3A_482] {strides = array<i32>} : memref<12288xf32, #tpu.memory_space<vmem>>, vector<16xf32>,
      tpu.vector_store %arg13[%swap3A_482], %mul3A_481 {add = true, strides = array<i32>} : memref<12288xf32, #tpu.memory_space<vmem>>, vector<16xf32>,
      %add3A_484 = arith.constant 256 : i32
      %add3A_485 = arith.addi %mul3A_460, %add3A_484 : i32
      %mul3A_486 = arith.mulf %gather3A_478, %select_n3A_458 : vector<16xf32>
      %swap3A_487 = arith.index_cast %add3A_485 : i32 to index
      %swap3A_488 = tpu.vector_load %arg13[%swap3A_487] {strides = array<i32>} : memref<12288xf32, #tpu.memory_space<vmem>>, vector<16xf32>,
      tpu.vector_store %arg13[%swap3A_487], %mul3A_486 {add = true, strides = array<i32>} : memref<12288xf32, #tpu.memory_space<vmem>>, vector<16xf32>,
      %broadcast_in_dim3A_489 = arith.constant 2 : i32
      %broadcast_in_dim3A_490 = vector.broadcast %broadcast_in_dim3A_489 : i32 to vector<16x1xi32>
      %gather3A_491 = vector.shape_cast %broadcast_in_dim3A_490 : vector<16x1xi32> to vector<16xi32>
      %gather3A_492 = tpu.dynamic_gather %select_n3A_451[%gather3A_491] in [0] : vector<16xf32>, vector<16xi32> -> vector<16xf32>
      %add3A_493 = arith.constant 32 : i32
      %add3A_494 = arith.addi %mul3A_460, %add3A_493 : i32
      %mul3A_495 = arith.mulf %gather3A_492, %select_n3A_451 : vector<16xf32>
      %swap3A_496 = arith.index_cast %add3A_494 : i32 to index
      %swap3A_497 = tpu.vector_load %arg13[%swap3A_496] {strides = array<i32>} : memref<12288xf32, #tpu.memory_space<vmem>>, vector<16xf32>,
      tpu.vector_store %arg13[%swap3A_496], %mul3A_495 {add = true, strides = array<i32>} : memref<12288xf32, #tpu.memory_space<vmem>>, vector<16xf32>,
      %add3A_498 = arith.constant 272 : i32
      %add3A_499 = arith.addi %mul3A_460, %add3A_498 : i32
      %mul3A_500 = arith.mulf %gather3A_492, %select_n3A_458 : vector<16xf32>
      %swap3A_501 = arith.index_cast %add3A_499 : i32 to index
      %swap3A_502 = tpu.vector_load %arg13[%swap3A_501] {strides = array<i32>} : memref<12288xf32, #tpu.memory_space<vmem>>, vector<16xf32>,
      tpu.vector_store %arg13[%swap3A_501], %mul3A_500 {add = true, strides = array<i32>} : memref<12288xf32, #tpu.memory_space<vmem>>, vector<16xf32>,
      %broadcast_in_dim3A_503 = arith.constant 3 : i32
      %broadcast_in_dim3A_504 = vector.broadcast %broadcast_in_dim3A_503 : i32 to vector<16x1xi32>
      %gather3A_505 = vector.shape_cast %broadcast_in_dim3A_504 : vector<16x1xi32> to vector<16xi32>
      %gather3A_506 = tpu.dynamic_gather %select_n3A_451[%gather3A_505] in [0] : vector<16xf32>, vector<16xi32> -> vector<16xf32>
      %add3A_507 = arith.constant 48 : i32
      %add3A_508 = arith.addi %mul3A_460, %add3A_507 : i32
      %mul3A_509 = arith.mulf %gather3A_506, %select_n3A_451 : vector<16xf32>
      %swap3A_510 = arith.index_cast %add3A_508 : i32 to index
      %swap3A_511 = tpu.vector_load %arg13[%swap3A_510] {strides = array<i32>} : memref<12288xf32, #tpu.memory_space<vmem>>, vector<16xf32>,
      tpu.vector_store %arg13[%swap3A_510], %mul3A_509 {add = true, strides = array<i32>} : memref<12288xf32, #tpu.memory_space<vmem>>, vector<16xf32>,
      %add3A_512 = arith.constant 288 : i32
      %add3A_513 = arith.addi %mul3A_460, %add3A_512 : i32
      %mul3A_514 = arith.mulf %gather3A_506, %select_n3A_458 : vector<16xf32>
      %swap3A_515 = arith.index_cast %add3A_513 : i32 to index
      %swap3A_516 = tpu.vector_load %arg13[%swap3A_515] {strides = array<i32>} : memref<12288xf32, #tpu.memory_space<vmem>>, vector<16xf32>,
      tpu.vector_store %arg13[%swap3A_515], %mul3A_514 {add = true, strides = array<i32>} : memref<12288xf32, #tpu.memory_space<vmem>>, vector<16xf32>,
      %broadcast_in_dim3A_517 = arith.constant 4 : i32
      %broadcast_in_dim3A_518 = vector.broadcast %broadcast_in_dim3A_517 : i32 to vector<16x1xi32>
      %gather3A_519 = vector.shape_cast %broadcast_in_dim3A_518 : vector<16x1xi32> to vector<16xi32>
      %gather3A_520 = tpu.dynamic_gather %select_n3A_451[%gather3A_519] in [0] : vector<16xf32>, vector<16xi32> -> vector<16xf32>
      %add3A_521 = arith.constant 64 : i32
      %add3A_522 = arith.addi %mul3A_460, %add3A_521 : i32
      %mul3A_523 = arith.mulf %gather3A_520, %select_n3A_451 : vector<16xf32>
      %swap3A_524 = arith.index_cast %add3A_522 : i32 to index
      %swap3A_525 = tpu.vector_load %arg13[%swap3A_524] {strides = array<i32>} : memref<12288xf32, #tpu.memory_space<vmem>>, vector<16xf32>,
      tpu.vector_store %arg13[%swap3A_524], %mul3A_523 {add = true, strides = array<i32>} : memref<12288xf32, #tpu.memory_space<vmem>>, vector<16xf32>,
      %add3A_526 = arith.constant 304 : i32
      %add3A_527 = arith.addi %mul3A_460, %add3A_526 : i32
      %mul3A_528 = arith.mulf %gather3A_520, %select_n3A_458 : vector<16xf32>
      %swap3A_529 = arith.index_cast %add3A_527 : i32 to index
      %swap3A_530 = tpu.vector_load %arg13[%swap3A_529] {strides = array<i32>} : memref<12288xf32, #tpu.memory_space<vmem>>, vector<16xf32>,
      tpu.vector_store %arg13[%swap3A_529], %mul3A_528 {add = true, strides = array<i32>} : memref<12288xf32, #tpu.memory_space<vmem>>, vector<16xf32>,
      %broadcast_in_dim3A_531 = arith.constant 5 : i32
      %broadcast_in_dim3A_532 = vector.broadcast %broadcast_in_dim3A_531 : i32 to vector<16x1xi32>
      %gather3A_533 = vector.shape_cast %broadcast_in_dim3A_532 : vector<16x1xi32> to vector<16xi32>
      %gather3A_534 = tpu.dynamic_gather %select_n3A_451[%gather3A_533] in [0] : vector<16xf32>, vector<16xi32> -> vector<16xf32>
      %add3A_535 = arith.constant 80 : i32
      %add3A_536 = arith.addi %mul3A_460, %add3A_535 : i32
      %mul3A_537 = arith.mulf %gather3A_534, %select_n3A_451 : vector<16xf32>
      %swap3A_538 = arith.index_cast %add3A_536 : i32 to index
      %swap3A_539 = tpu.vector_load %arg13[%swap3A_538] {strides = array<i32>} : memref<12288xf32, #tpu.memory_space<vmem>>, vector<16xf32>,
      tpu.vector_store %arg13[%swap3A_538], %mul3A_537 {add = true, strides = array<i32>} : memref<12288xf32, #tpu.memory_space<vmem>>, vector<16xf32>,
      %add3A_540 = arith.constant 320 : i32
      %add3A_541 = arith.addi %mul3A_460, %add3A_540 : i32
      %mul3A_542 = arith.mulf %gather3A_534, %select_n3A_458 : vector<16xf32>
      %swap3A_543 = arith.index_cast %add3A_541 : i32 to index
      %swap3A_544 = tpu.vector_load %arg13[%swap3A_543] {strides = array<i32>} : memref<12288xf32, #tpu.memory_space<vmem>>, vector<16xf32>,
      tpu.vector_store %arg13[%swap3A_543], %mul3A_542 {add = true, strides = array<i32>} : memref<12288xf32, #tpu.memory_space<vmem>>, vector<16xf32>,
      %broadcast_in_dim3A_545 = arith.constant 6 : i32
      %broadcast_in_dim3A_546 = vector.broadcast %broadcast_in_dim3A_545 : i32 to vector<16x1xi32>
      %gather3A_547 = vector.shape_cast %broadcast_in_dim3A_546 : vector<16x1xi32> to vector<16xi32>
      %gather3A_548 = tpu.dynamic_gather %select_n3A_451[%gather3A_547] in [0] : vector<16xf32>, vector<16xi32> -> vector<16xf32>
      %add3A_549 = arith.constant 96 : i32
      %add3A_550 = arith.addi %mul3A_460, %add3A_549 : i32
      %mul3A_551 = arith.mulf %gather3A_548, %select_n3A_451 : vector<16xf32>
      %swap3A_552 = arith.index_cast %add3A_550 : i32 to index
      %swap3A_553 = tpu.vector_load %arg13[%swap3A_552] {strides = array<i32>} : memref<12288xf32, #tpu.memory_space<vmem>>, vector<16xf32>,
      tpu.vector_store %arg13[%swap3A_552], %mul3A_551 {add = true, strides = array<i32>} : memref<12288xf32, #tpu.memory_space<vmem>>, vector<16xf32>,
      %add3A_554 = arith.constant 336 : i32
      %add3A_555 = arith.addi %mul3A_460, %add3A_554 : i32
      %mul3A_556 = arith.mulf %gather3A_548, %select_n3A_458 : vector<16xf32>
      %swap3A_557 = arith.index_cast %add3A_555 : i32 to index
      %swap3A_558 = tpu.vector_load %arg13[%swap3A_557] {strides = array<i32>} : memref<12288xf32, #tpu.memory_space<vmem>>, vector<16xf32>,
      tpu.vector_store %arg13[%swap3A_557], %mul3A_556 {add = true, strides = array<i32>} : memref<12288xf32, #tpu.memory_space<vmem>>, vector<16xf32>,
      %broadcast_in_dim3A_559 = arith.constant 7 : i32
      %broadcast_in_dim3A_560 = vector.broadcast %broadcast_in_dim3A_559 : i32 to vector<16x1xi32>
      %gather3A_561 = vector.shape_cast %broadcast_in_dim3A_560 : vector<16x1xi32> to vector<16xi32>
      %gather3A_562 = tpu.dynamic_gather %select_n3A_451[%gather3A_561] in [0] : vector<16xf32>, vector<16xi32> -> vector<16xf32>
      %add3A_563 = arith.constant 112 : i32
      %add3A_564 = arith.addi %mul3A_460, %add3A_563 : i32
      %mul3A_565 = arith.mulf %gather3A_562, %select_n3A_451 : vector<16xf32>
      %swap3A_566 = arith.index_cast %add3A_564 : i32 to index
      %swap3A_567 = tpu.vector_load %arg13[%swap3A_566] {strides = array<i32>} : memref<12288xf32, #tpu.memory_space<vmem>>, vector<16xf32>,
      tpu.vector_store %arg13[%swap3A_566], %mul3A_565 {add = true, strides = array<i32>} : memref<12288xf32, #tpu.memory_space<vmem>>, vector<16xf32>,
      %add3A_568 = arith.constant 352 : i32
      %add3A_569 = arith.addi %mul3A_460, %add3A_568 : i32
      %mul3A_570 = arith.mulf %gather3A_562, %select_n3A_458 : vector<16xf32>
      %swap3A_571 = arith.index_cast %add3A_569 : i32 to index
      %swap3A_572 = tpu.vector_load %arg13[%swap3A_571] {strides = array<i32>} : memref<12288xf32, #tpu.memory_space<vmem>>, vector<16xf32>,
      tpu.vector_store %arg13[%swap3A_571], %mul3A_570 {add = true, strides = array<i32>} : memref<12288xf32, #tpu.memory_space<vmem>>, vector<16xf32>,
      %broadcast_in_dim3A_573 = arith.constant 8 : i32
      %broadcast_in_dim3A_574 = vector.broadcast %broadcast_in_dim3A_573 : i32 to vector<16x1xi32>
      %gather3A_575 = vector.shape_cast %broadcast_in_dim3A_574 : vector<16x1xi32> to vector<16xi32>
      %gather3A_576 = tpu.dynamic_gather %select_n3A_451[%gather3A_575] in [0] : vector<16xf32>, vector<16xi32> -> vector<16xf32>
      %add3A_577 = arith.constant 128 : i32
      %add3A_578 = arith.addi %mul3A_460, %add3A_577 : i32
      %mul3A_579 = arith.mulf %gather3A_576, %select_n3A_451 : vector<16xf32>
      %swap3A_580 = arith.index_cast %add3A_578 : i32 to index
      %swap3A_581 = tpu.vector_load %arg13[%swap3A_580] {strides = array<i32>} : memref<12288xf32, #tpu.memory_space<vmem>>, vector<16xf32>,
      tpu.vector_store %arg13[%swap3A_580], %mul3A_579 {add = true, strides = array<i32>} : memref<12288xf32, #tpu.memory_space<vmem>>, vector<16xf32>,
      %add3A_582 = arith.constant 368 : i32
      %add3A_583 = arith.addi %mul3A_460, %add3A_582 : i32
      %mul3A_584 = arith.mulf %gather3A_576, %select_n3A_458 : vector<16xf32>
      %swap3A_585 = arith.index_cast %add3A_583 : i32 to index
      %swap3A_586 = tpu.vector_load %arg13[%swap3A_585] {strides = array<i32>} : memref<12288xf32, #tpu.memory_space<vmem>>, vector<16xf32>,
      tpu.vector_store %arg13[%swap3A_585], %mul3A_584 {add = true, strides = array<i32>} : memref<12288xf32, #tpu.memory_space<vmem>>, vector<16xf32>,
      %broadcast_in_dim3A_587 = arith.constant 9 : i32
      %broadcast_in_dim3A_588 = vector.broadcast %broadcast_in_dim3A_587 : i32 to vector<16x1xi32>
      %gather3A_589 = vector.shape_cast %broadcast_in_dim3A_588 : vector<16x1xi32> to vector<16xi32>
      %gather3A_590 = tpu.dynamic_gather %select_n3A_451[%gather3A_589] in [0] : vector<16xf32>, vector<16xi32> -> vector<16xf32>
      %add3A_591 = arith.constant 144 : i32
      %add3A_592 = arith.addi %mul3A_460, %add3A_591 : i32
      %mul3A_593 = arith.mulf %gather3A_590, %select_n3A_451 : vector<16xf32>
      %swap3A_594 = arith.index_cast %add3A_592 : i32 to index
      %swap3A_595 = tpu.vector_load %arg13[%swap3A_594] {strides = array<i32>} : memref<12288xf32, #tpu.memory_space<vmem>>, vector<16xf32>,
      tpu.vector_store %arg13[%swap3A_594], %mul3A_593 {add = true, strides = array<i32>} : memref<12288xf32, #tpu.memory_space<vmem>>, vector<16xf32>,
      %add3A_596 = arith.constant 384 : i32
      %add3A_597 = arith.addi %mul3A_460, %add3A_596 : i32
      %mul3A_598 = arith.mulf %gather3A_590, %select_n3A_458 : vector<16xf32>
      %swap3A_599 = arith.index_cast %add3A_597 : i32 to index
      %swap3A_600 = tpu.vector_load %arg13[%swap3A_599] {strides = array<i32>} : memref<12288xf32, #tpu.memory_space<vmem>>, vector<16xf32>,
      tpu.vector_store %arg13[%swap3A_599], %mul3A_598 {add = true, strides = array<i32>} : memref<12288xf32, #tpu.memory_space<vmem>>, vector<16xf32>,
      %broadcast_in_dim3A_601 = arith.constant 10 : i32
      %broadcast_in_dim3A_602 = vector.broadcast %broadcast_in_dim3A_601 : i32 to vector<16x1xi32>
      %gather3A_603 = vector.shape_cast %broadcast_in_dim3A_602 : vector<16x1xi32> to vector<16xi32>
      %gather3A_604 = tpu.dynamic_gather %select_n3A_451[%gather3A_603] in [0] : vector<16xf32>, vector<16xi32> -> vector<16xf32>
      %add3A_605 = arith.constant 160 : i32
      %add3A_606 = arith.addi %mul3A_460, %add3A_605 : i32
      %mul3A_607 = arith.mulf %gather3A_604, %select_n3A_451 : vector<16xf32>
      %swap3A_608 = arith.index_cast %add3A_606 : i32 to index
      %swap3A_609 = tpu.vector_load %arg13[%swap3A_608] {strides = array<i32>} : memref<12288xf32, #tpu.memory_space<vmem>>, vector<16xf32>,
      tpu.vector_store %arg13[%swap3A_608], %mul3A_607 {add = true, strides = array<i32>} : memref<12288xf32, #tpu.memory_space<vmem>>, vector<16xf32>,
      %add3A_610 = arith.constant 400 : i32
      %add3A_611 = arith.addi %mul3A_460, %add3A_610 : i32
      %mul3A_612 = arith.mulf %gather3A_604, %select_n3A_458 : vector<16xf32>
      %swap3A_613 = arith.index_cast %add3A_611 : i32 to index
      %swap3A_614 = tpu.vector_load %arg13[%swap3A_613] {strides = array<i32>} : memref<12288xf32, #tpu.memory_space<vmem>>, vector<16xf32>,
      tpu.vector_store %arg13[%swap3A_613], %mul3A_612 {add = true, strides = array<i32>} : memref<12288xf32, #tpu.memory_space<vmem>>, vector<16xf32>,
      %broadcast_in_dim3A_615 = arith.constant 11 : i32
      %broadcast_in_dim3A_616 = vector.broadcast %broadcast_in_dim3A_615 : i32 to vector<16x1xi32>
      %gather3A_617 = vector.shape_cast %broadcast_in_dim3A_616 : vector<16x1xi32> to vector<16xi32>
      %gather3A_618 = tpu.dynamic_gather %select_n3A_451[%gather3A_617] in [0] : vector<16xf32>, vector<16xi32> -> vector<16xf32>
      %add3A_619 = arith.constant 176 : i32
      %add3A_620 = arith.addi %mul3A_460, %add3A_619 : i32
      %mul3A_621 = arith.mulf %gather3A_618, %select_n3A_451 : vector<16xf32>
      %swap3A_622 = arith.index_cast %add3A_620 : i32 to index
      %swap3A_623 = tpu.vector_load %arg13[%swap3A_622] {strides = array<i32>} : memref<12288xf32, #tpu.memory_space<vmem>>, vector<16xf32>,
      tpu.vector_store %arg13[%swap3A_622], %mul3A_621 {add = true, strides = array<i32>} : memref<12288xf32, #tpu.memory_space<vmem>>, vector<16xf32>,
      %add3A_624 = arith.constant 416 : i32
      %add3A_625 = arith.addi %mul3A_460, %add3A_624 : i32
      %mul3A_626 = arith.mulf %gather3A_618, %select_n3A_458 : vector<16xf32>
      %swap3A_627 = arith.index_cast %add3A_625 : i32 to index
      %swap3A_628 = tpu.vector_load %arg13[%swap3A_627] {strides = array<i32>} : memref<12288xf32, #tpu.memory_space<vmem>>, vector<16xf32>,
      tpu.vector_store %arg13[%swap3A_627], %mul3A_626 {add = true, strides = array<i32>} : memref<12288xf32, #tpu.memory_space<vmem>>, vector<16xf32>,
      %broadcast_in_dim3A_629 = arith.constant 12 : i32
      %broadcast_in_dim3A_630 = vector.broadcast %broadcast_in_dim3A_629 : i32 to vector<16x1xi32>
      %gather3A_631 = vector.shape_cast %broadcast_in_dim3A_630 : vector<16x1xi32> to vector<16xi32>
      %gather3A_632 = tpu.dynamic_gather %select_n3A_451[%gather3A_631] in [0] : vector<16xf32>, vector<16xi32> -> vector<16xf32>
      %add3A_633 = arith.constant 192 : i32
      %add3A_634 = arith.addi %mul3A_460, %add3A_633 : i32
      %mul3A_635 = arith.mulf %gather3A_632, %select_n3A_451 : vector<16xf32>
      %swap3A_636 = arith.index_cast %add3A_634 : i32 to index
      %swap3A_637 = tpu.vector_load %arg13[%swap3A_636] {strides = array<i32>} : memref<12288xf32, #tpu.memory_space<vmem>>, vector<16xf32>,
      tpu.vector_store %arg13[%swap3A_636], %mul3A_635 {add = true, strides = array<i32>} : memref<12288xf32, #tpu.memory_space<vmem>>, vector<16xf32>,
      %add3A_638 = arith.constant 432 : i32
      %add3A_639 = arith.addi %mul3A_460, %add3A_638 : i32
      %mul3A_640 = arith.mulf %gather3A_632, %select_n3A_458 : vector<16xf32>
      %swap3A_641 = arith.index_cast %add3A_639 : i32 to index
      %swap3A_642 = tpu.vector_load %arg13[%swap3A_641] {strides = array<i32>} : memref<12288xf32, #tpu.memory_space<vmem>>, vector<16xf32>,
      tpu.vector_store %arg13[%swap3A_641], %mul3A_640 {add = true, strides = array<i32>} : memref<12288xf32, #tpu.memory_space<vmem>>, vector<16xf32>,
      %broadcast_in_dim3A_643 = arith.constant 13 : i32
      %broadcast_in_dim3A_644 = vector.broadcast %broadcast_in_dim3A_643 : i32 to vector<16x1xi32>
      %gather3A_645 = vector.shape_cast %broadcast_in_dim3A_644 : vector<16x1xi32> to vector<16xi32>
      %gather3A_646 = tpu.dynamic_gather %select_n3A_451[%gather3A_645] in [0] : vector<16xf32>, vector<16xi32> -> vector<16xf32>
      %add3A_647 = arith.constant 208 : i32
      %add3A_648 = arith.addi %mul3A_460, %add3A_647 : i32
      %mul3A_649 = arith.mulf %gather3A_646, %select_n3A_451 : vector<16xf32>
      %swap3A_650 = arith.index_cast %add3A_648 : i32 to index
      %swap3A_651 = tpu.vector_load %arg13[%swap3A_650] {strides = array<i32>} : memref<12288xf32, #tpu.memory_space<vmem>>, vector<16xf32>,
      tpu.vector_store %arg13[%swap3A_650], %mul3A_649 {add = true, strides = array<i32>} : memref<12288xf32, #tpu.memory_space<vmem>>, vector<16xf32>,
      %add3A_652 = arith.constant 448 : i32
      %add3A_653 = arith.addi %mul3A_460, %add3A_652 : i32
      %mul3A_654 = arith.mulf %gather3A_646, %select_n3A_458 : vector<16xf32>
      %swap3A_655 = arith.index_cast %add3A_653 : i32 to index
      %swap3A_656 = tpu.vector_load %arg13[%swap3A_655] {strides = array<i32>} : memref<12288xf32, #tpu.memory_space<vmem>>, vector<16xf32>,
      tpu.vector_store %arg13[%swap3A_655], %mul3A_654 {add = true, strides = array<i32>} : memref<12288xf32, #tpu.memory_space<vmem>>, vector<16xf32>,
      %broadcast_in_dim3A_657 = arith.constant 14 : i32
      %broadcast_in_dim3A_658 = vector.broadcast %broadcast_in_dim3A_657 : i32 to vector<16x1xi32>
      %gather3A_659 = vector.shape_cast %broadcast_in_dim3A_658 : vector<16x1xi32> to vector<16xi32>
      %gather3A_660 = tpu.dynamic_gather %select_n3A_451[%gather3A_659] in [0] : vector<16xf32>, vector<16xi32> -> vector<16xf32>
      %add3A_661 = arith.constant 224 : i32
      %add3A_662 = arith.addi %mul3A_460, %add3A_661 : i32
      %mul3A_663 = arith.mulf %gather3A_660, %select_n3A_451 : vector<16xf32>
      %swap3A_664 = arith.index_cast %add3A_662 : i32 to index
      %swap3A_665 = tpu.vector_load %arg13[%swap3A_664] {strides = array<i32>} : memref<12288xf32, #tpu.memory_space<vmem>>, vector<16xf32>,
      tpu.vector_store %arg13[%swap3A_664], %mul3A_663 {add = true, strides = array<i32>} : memref<12288xf32, #tpu.memory_space<vmem>>, vector<16xf32>,
      %add3A_666 = arith.constant 464 : i32
      %add3A_667 = arith.addi %mul3A_460, %add3A_666 : i32
      %mul3A_668 = arith.mulf %gather3A_660, %select_n3A_458 : vector<16xf32>
      %swap3A_669 = arith.index_cast %add3A_667 : i32 to index
      %swap3A_670 = tpu.vector_load %arg13[%swap3A_669] {strides = array<i32>} : memref<12288xf32, #tpu.memory_space<vmem>>, vector<16xf32>,
      tpu.vector_store %arg13[%swap3A_669], %mul3A_668 {add = true, strides = array<i32>} : memref<12288xf32, #tpu.memory_space<vmem>>, vector<16xf32>,
      %broadcast_in_dim3A_671 = arith.constant 0 : i32
      %broadcast_in_dim3A_672 = vector.broadcast %broadcast_in_dim3A_671 : i32 to vector<16x1xi32>
      %gather3A_673 = vector.shape_cast %broadcast_in_dim3A_672 : vector<16x1xi32> to vector<16xi32>
      %gather3A_674 = tpu.dynamic_gather %select_n3A_458[%gather3A_673] in [0] : vector<16xf32>, vector<16xi32> -> vector<16xf32>
      %add3A_675 = arith.constant 480 : i32
      %add3A_676 = arith.addi %mul3A_460, %add3A_675 : i32
      %mul3A_677 = arith.mulf %gather3A_674, %select_n3A_458 : vector<16xf32>
      %swap3A_678 = arith.index_cast %add3A_676 : i32 to index
      %swap3A_679 = tpu.vector_load %arg13[%swap3A_678] {strides = array<i32>} : memref<12288xf32, #tpu.memory_space<vmem>>, vector<16xf32>,
      tpu.vector_store %arg13[%swap3A_678], %mul3A_677 {add = true, strides = array<i32>} : memref<12288xf32, #tpu.memory_space<vmem>>, vector<16xf32>,
      %broadcast_in_dim3A_680 = arith.constant 1 : i32
      %broadcast_in_dim3A_681 = vector.broadcast %broadcast_in_dim3A_680 : i32 to vector<16x1xi32>
      %gather3A_682 = vector.shape_cast %broadcast_in_dim3A_681 : vector<16x1xi32> to vector<16xi32>
      %gather3A_683 = tpu.dynamic_gather %select_n3A_458[%gather3A_682] in [0] : vector<16xf32>, vector<16xi32> -> vector<16xf32>
      %add3A_684 = arith.constant 496 : i32
      %add3A_685 = arith.addi %mul3A_460, %add3A_684 : i32
      %mul3A_686 = arith.mulf %gather3A_683, %select_n3A_458 : vector<16xf32>
      %swap3A_687 = arith.index_cast %add3A_685 : i32 to index
      %swap3A_688 = tpu.vector_load %arg13[%swap3A_687] {strides = array<i32>} : memref<12288xf32, #tpu.memory_space<vmem>>, vector<16xf32>,
      tpu.vector_store %arg13[%swap3A_687], %mul3A_686 {add = true, strides = array<i32>} : memref<12288xf32, #tpu.memory_space<vmem>>, vector<16xf32>,
      %broadcast_in_dim3A_689 = arith.constant 2 : i32
      %broadcast_in_dim3A_690 = vector.broadcast %broadcast_in_dim3A_689 : i32 to vector<16x1xi32>
      %gather3A_691 = vector.shape_cast %broadcast_in_dim3A_690 : vector<16x1xi32> to vector<16xi32>
      %gather3A_692 = tpu.dynamic_gather %select_n3A_458[%gather3A_691] in [0] : vector<16xf32>, vector<16xi32> -> vector<16xf32>
      %add3A_693 = arith.constant 512 : i32
      %add3A_694 = arith.addi %mul3A_460, %add3A_693 : i32
      %mul3A_695 = arith.mulf %gather3A_692, %select_n3A_458 : vector<16xf32>
      %swap3A_696 = arith.index_cast %add3A_694 : i32 to index
      %swap3A_697 = tpu.vector_load %arg13[%swap3A_696] {strides = array<i32>} : memref<12288xf32, #tpu.memory_space<vmem>>, vector<16xf32>,
      tpu.vector_store %arg13[%swap3A_696], %mul3A_695 {add = true, strides = array<i32>} : memref<12288xf32, #tpu.memory_space<vmem>>, vector<16xf32>,
      %broadcast_in_dim3A_698 = arith.constant 3 : i32
      %broadcast_in_dim3A_699 = vector.broadcast %broadcast_in_dim3A_698 : i32 to vector<16x1xi32>
      %gather3A_700 = vector.shape_cast %broadcast_in_dim3A_699 : vector<16x1xi32> to vector<16xi32>
      %gather3A_701 = tpu.dynamic_gather %select_n3A_458[%gather3A_700] in [0] : vector<16xf32>, vector<16xi32> -> vector<16xf32>
      %add3A_702 = arith.constant 528 : i32
      %add3A_703 = arith.addi %mul3A_460, %add3A_702 : i32
      %mul3A_704 = arith.mulf %gather3A_701, %select_n3A_458 : vector<16xf32>
      %swap3A_705 = arith.index_cast %add3A_703 : i32 to index
      %swap3A_706 = tpu.vector_load %arg13[%swap3A_705] {strides = array<i32>} : memref<12288xf32, #tpu.memory_space<vmem>>, vector<16xf32>,
      tpu.vector_store %arg13[%swap3A_705], %mul3A_704 {add = true, strides = array<i32>} : memref<12288xf32, #tpu.memory_space<vmem>>, vector<16xf32>,
      %broadcast_in_dim3A_707 = arith.constant 4 : i32
      %broadcast_in_dim3A_708 = vector.broadcast %broadcast_in_dim3A_707 : i32 to vector<16x1xi32>
      %gather3A_709 = vector.shape_cast %broadcast_in_dim3A_708 : vector<16x1xi32> to vector<16xi32>
      %gather3A_710 = tpu.dynamic_gather %select_n3A_458[%gather3A_709] in [0] : vector<16xf32>, vector<16xi32> -> vector<16xf32>
      %add3A_711 = arith.constant 544 : i32
      %add3A_712 = arith.addi %mul3A_460, %add3A_711 : i32
      %mul3A_713 = arith.mulf %gather3A_710, %select_n3A_458 : vector<16xf32>
      %swap3A_714 = arith.index_cast %add3A_712 : i32 to index
      %swap3A_715 = tpu.vector_load %arg13[%swap3A_714] {strides = array<i32>} : memref<12288xf32, #tpu.memory_space<vmem>>, vector<16xf32>,
      tpu.vector_store %arg13[%swap3A_714], %mul3A_713 {add = true, strides = array<i32>} : memref<12288xf32, #tpu.memory_space<vmem>>, vector<16xf32>,
      %broadcast_in_dim3A_716 = arith.constant 5 : i32
      %broadcast_in_dim3A_717 = vector.broadcast %broadcast_in_dim3A_716 : i32 to vector<16x1xi32>
      %gather3A_718 = vector.shape_cast %broadcast_in_dim3A_717 : vector<16x1xi32> to vector<16xi32>
      %gather3A_719 = tpu.dynamic_gather %select_n3A_458[%gather3A_718] in [0] : vector<16xf32>, vector<16xi32> -> vector<16xf32>
      %add3A_720 = arith.constant 560 : i32
      %add3A_721 = arith.addi %mul3A_460, %add3A_720 : i32
      %mul3A_722 = arith.mulf %gather3A_719, %select_n3A_458 : vector<16xf32>
      %swap3A_723 = arith.index_cast %add3A_721 : i32 to index
      %swap3A_724 = tpu.vector_load %arg13[%swap3A_723] {strides = array<i32>} : memref<12288xf32, #tpu.memory_space<vmem>>, vector<16xf32>,
      tpu.vector_store %arg13[%swap3A_723], %mul3A_722 {add = true, strides = array<i32>} : memref<12288xf32, #tpu.memory_space<vmem>>, vector<16xf32>,
      %broadcast_in_dim3A_725 = arith.constant 6 : i32
      %broadcast_in_dim3A_726 = vector.broadcast %broadcast_in_dim3A_725 : i32 to vector<16x1xi32>
      %gather3A_727 = vector.shape_cast %broadcast_in_dim3A_726 : vector<16x1xi32> to vector<16xi32>
      %gather3A_728 = tpu.dynamic_gather %select_n3A_458[%gather3A_727] in [0] : vector<16xf32>, vector<16xi32> -> vector<16xf32>
      %add3A_729 = arith.constant 576 : i32
      %add3A_730 = arith.addi %mul3A_460, %add3A_729 : i32
      %mul3A_731 = arith.mulf %gather3A_728, %select_n3A_458 : vector<16xf32>
      %swap3A_732 = arith.index_cast %add3A_730 : i32 to index
      %swap3A_733 = tpu.vector_load %arg13[%swap3A_732] {strides = array<i32>} : memref<12288xf32, #tpu.memory_space<vmem>>, vector<16xf32>,
      tpu.vector_store %arg13[%swap3A_732], %mul3A_731 {add = true, strides = array<i32>} : memref<12288xf32, #tpu.memory_space<vmem>>, vector<16xf32>,
      %broadcast_in_dim3A_734 = arith.constant 7 : i32
      %broadcast_in_dim3A_735 = vector.broadcast %broadcast_in_dim3A_734 : i32 to vector<16x1xi32>
      %gather3A_736 = vector.shape_cast %broadcast_in_dim3A_735 : vector<16x1xi32> to vector<16xi32>
      %gather3A_737 = tpu.dynamic_gather %select_n3A_458[%gather3A_736] in [0] : vector<16xf32>, vector<16xi32> -> vector<16xf32>
      %add3A_738 = arith.constant 592 : i32
      %add3A_739 = arith.addi %mul3A_460, %add3A_738 : i32
      %mul3A_740 = arith.mulf %gather3A_737, %select_n3A_458 : vector<16xf32>
      %swap3A_741 = arith.index_cast %add3A_739 : i32 to index
      %swap3A_742 = tpu.vector_load %arg13[%swap3A_741] {strides = array<i32>} : memref<12288xf32, #tpu.memory_space<vmem>>, vector<16xf32>,
      tpu.vector_store %arg13[%swap3A_741], %mul3A_740 {add = true, strides = array<i32>} : memref<12288xf32, #tpu.memory_space<vmem>>, vector<16xf32>,
      %broadcast_in_dim3A_743 = arith.constant 8 : i32
      %broadcast_in_dim3A_744 = vector.broadcast %broadcast_in_dim3A_743 : i32 to vector<16x1xi32>
      %gather3A_745 = vector.shape_cast %broadcast_in_dim3A_744 : vector<16x1xi32> to vector<16xi32>
      %gather3A_746 = tpu.dynamic_gather %select_n3A_458[%gather3A_745] in [0] : vector<16xf32>, vector<16xi32> -> vector<16xf32>
      %add3A_747 = arith.constant 608 : i32
      %add3A_748 = arith.addi %mul3A_460, %add3A_747 : i32
      %mul3A_749 = arith.mulf %gather3A_746, %select_n3A_458 : vector<16xf32>
      %swap3A_750 = arith.index_cast %add3A_748 : i32 to index
      %swap3A_751 = tpu.vector_load %arg13[%swap3A_750] {strides = array<i32>} : memref<12288xf32, #tpu.memory_space<vmem>>, vector<16xf32>,
      tpu.vector_store %arg13[%swap3A_750], %mul3A_749 {add = true, strides = array<i32>} : memref<12288xf32, #tpu.memory_space<vmem>>, vector<16xf32>,
      %broadcast_in_dim3A_752 = arith.constant 9 : i32
      %broadcast_in_dim3A_753 = vector.broadcast %broadcast_in_dim3A_752 : i32 to vector<16x1xi32>
      %gather3A_754 = vector.shape_cast %broadcast_in_dim3A_753 : vector<16x1xi32> to vector<16xi32>
      %gather3A_755 = tpu.dynamic_gather %select_n3A_458[%gather3A_754] in [0] : vector<16xf32>, vector<16xi32> -> vector<16xf32>
      %add3A_756 = arith.constant 624 : i32
      %add3A_757 = arith.addi %mul3A_460, %add3A_756 : i32
      %mul3A_758 = arith.mulf %gather3A_755, %select_n3A_458 : vector<16xf32>
      %swap3A_759 = arith.index_cast %add3A_757 : i32 to index
      %swap3A_760 = tpu.vector_load %arg13[%swap3A_759] {strides = array<i32>} : memref<12288xf32, #tpu.memory_space<vmem>>, vector<16xf32>,
      tpu.vector_store %arg13[%swap3A_759], %mul3A_758 {add = true, strides = array<i32>} : memref<12288xf32, #tpu.memory_space<vmem>>, vector<16xf32>,
      %broadcast_in_dim3A_761 = arith.constant 10 : i32
      %broadcast_in_dim3A_762 = vector.broadcast %broadcast_in_dim3A_761 : i32 to vector<16x1xi32>
      %gather3A_763 = vector.shape_cast %broadcast_in_dim3A_762 : vector<16x1xi32> to vector<16xi32>
      %gather3A_764 = tpu.dynamic_gather %select_n3A_458[%gather3A_763] in [0] : vector<16xf32>, vector<16xi32> -> vector<16xf32>
      %add3A_765 = arith.constant 640 : i32
      %add3A_766 = arith.addi %mul3A_460, %add3A_765 : i32
      %mul3A_767 = arith.mulf %gather3A_764, %select_n3A_458 : vector<16xf32>
      %swap3A_768 = arith.index_cast %add3A_766 : i32 to index
      %swap3A_769 = tpu.vector_load %arg13[%swap3A_768] {strides = array<i32>} : memref<12288xf32, #tpu.memory_space<vmem>>, vector<16xf32>,
      tpu.vector_store %arg13[%swap3A_768], %mul3A_767 {add = true, strides = array<i32>} : memref<12288xf32, #tpu.memory_space<vmem>>, vector<16xf32>,
      %broadcast_in_dim3A_770 = arith.constant 11 : i32
      %broadcast_in_dim3A_771 = vector.broadcast %broadcast_in_dim3A_770 : i32 to vector<16x1xi32>
      %gather3A_772 = vector.shape_cast %broadcast_in_dim3A_771 : vector<16x1xi32> to vector<16xi32>
      %gather3A_773 = tpu.dynamic_gather %select_n3A_458[%gather3A_772] in [0] : vector<16xf32>, vector<16xi32> -> vector<16xf32>
      %add3A_774 = arith.constant 656 : i32
      %add3A_775 = arith.addi %mul3A_460, %add3A_774 : i32
      %mul3A_776 = arith.mulf %gather3A_773, %select_n3A_458 : vector<16xf32>
      %swap3A_777 = arith.index_cast %add3A_775 : i32 to index
      %swap3A_778 = tpu.vector_load %arg13[%swap3A_777] {strides = array<i32>} : memref<12288xf32, #tpu.memory_space<vmem>>, vector<16xf32>,
      tpu.vector_store %arg13[%swap3A_777], %mul3A_776 {add = true, strides = array<i32>} : memref<12288xf32, #tpu.memory_space<vmem>>, vector<16xf32>,
      %broadcast_in_dim3A_779 = arith.constant 12 : i32
      %broadcast_in_dim3A_780 = vector.broadcast %broadcast_in_dim3A_779 : i32 to vector<16x1xi32>
      %gather3A_781 = vector.shape_cast %broadcast_in_dim3A_780 : vector<16x1xi32> to vector<16xi32>
      %gather3A_782 = tpu.dynamic_gather %select_n3A_458[%gather3A_781] in [0] : vector<16xf32>, vector<16xi32> -> vector<16xf32>
      %add3A_783 = arith.constant 672 : i32
      %add3A_784 = arith.addi %mul3A_460, %add3A_783 : i32
      %mul3A_785 = arith.mulf %gather3A_782, %select_n3A_458 : vector<16xf32>
      %swap3A_786 = arith.index_cast %add3A_784 : i32 to index
      %swap3A_787 = tpu.vector_load %arg13[%swap3A_786] {strides = array<i32>} : memref<12288xf32, #tpu.memory_space<vmem>>, vector<16xf32>,
      tpu.vector_store %arg13[%swap3A_786], %mul3A_785 {add = true, strides = array<i32>} : memref<12288xf32, #tpu.memory_space<vmem>>, vector<16xf32>,
      %broadcast_in_dim3A_788 = arith.constant 13 : i32
      %broadcast_in_dim3A_789 = vector.broadcast %broadcast_in_dim3A_788 : i32 to vector<16x1xi32>
      %gather3A_790 = vector.shape_cast %broadcast_in_dim3A_789 : vector<16x1xi32> to vector<16xi32>
      %gather3A_791 = tpu.dynamic_gather %select_n3A_458[%gather3A_790] in [0] : vector<16xf32>, vector<16xi32> -> vector<16xf32>
      %add3A_792 = arith.constant 688 : i32
      %add3A_793 = arith.addi %mul3A_460, %add3A_792 : i32
      %mul3A_794 = arith.mulf %gather3A_791, %select_n3A_458 : vector<16xf32>
      %swap3A_795 = arith.index_cast %add3A_793 : i32 to index
      %swap3A_796 = tpu.vector_load %arg13[%swap3A_795] {strides = array<i32>} : memref<12288xf32, #tpu.memory_space<vmem>>, vector<16xf32>,
      tpu.vector_store %arg13[%swap3A_795], %mul3A_794 {add = true, strides = array<i32>} : memref<12288xf32, #tpu.memory_space<vmem>>, vector<16xf32>,
      %add3A_797 = arith.constant 2 : i32
      %add3A_798 = arith.addi %mul3A_84, %add3A_797 : i32
      %slice3A_799 = vector.extract_strided_slice %add3A_91 {offsets = [2], sizes = [1], strides = [1]} : vector<16xi32> to vector<1xi32>
      %squeeze3A_800 = vector.extract %slice3A_799[0] : i32 from vector<1xi32>
      %mul3A_801 = arith.constant 14 : i32
      %mul3A_802 = arith.muli %add3A_798, %mul3A_801 : i32
      %get3A_803 = arith.index_cast %mul3A_802 : i32 to index
      %get3A_804 = tpu.vector_load %arg8[%get3A_803] {strides = array<i32>} : memref<14352xf32, #tpu.memory_space<vmem>>, vector<16xf32>,
      %select_n3A_805 = arith.select %lt3A_61, %get3A_804, %select_n3A : vector<16xi1>, vector<16xf32>
      %mul3A_806 = arith.constant 14 : i32
      %mul3A_807 = arith.muli %add3A_798, %mul3A_806 : i32
      %get3A_808 = arith.index_cast %mul3A_807 : i32 to index
      %get3A_809 = tpu.vector_load %arg9[%get3A_808] {strides = array<i32>} : memref<14352xf32, #tpu.memory_space<vmem>>, vector<16xf32>,
      %jit3A_810 = arith.constant 0.000000e+00 : f32
      %broadcast_in_dim3A_811 = vector.broadcast %jit3A_810 : f32 to vector<16xf32>
      %select_n3A_812 = arith.select %lt3A_61, %get3A_809, %broadcast_in_dim3A_811 : vector<16xi1>, vector<16xf32>
      %mul3A_813 = arith.constant 768 : i32
      %mul3A_814 = arith.muli %squeeze3A_800, %mul3A_813 : i32
      %broadcast_in_dim3A_815 = arith.constant 0 : i32
      %broadcast_in_dim3A_816 = vector.broadcast %broadcast_in_dim3A_815 : i32 to vector<16x1xi32>
      %gather3A_817 = vector.shape_cast %broadcast_in_dim3A_816 : vector<16x1xi32> to vector<16xi32>
      %gather3A_818 = tpu.dynamic_gather %select_n3A_805[%gather3A_817] in [0] : vector<16xf32>, vector<16xi32> -> vector<16xf32>
      %add3A_819 = arith.constant 0 : i32
      %add3A_820 = arith.addi %mul3A_814, %add3A_819 : i32
      %mul3A_821 = arith.mulf %gather3A_818, %select_n3A_805 : vector<16xf32>
      %swap3A_822 = arith.index_cast %add3A_820 : i32 to index
      %swap3A_823 = tpu.vector_load %arg13[%swap3A_822] {strides = array<i32>} : memref<12288xf32, #tpu.memory_space<vmem>>, vector<16xf32>,
      tpu.vector_store %arg13[%swap3A_822], %mul3A_821 {add = true, strides = array<i32>} : memref<12288xf32, #tpu.memory_space<vmem>>, vector<16xf32>,
      %add3A_824 = arith.constant 240 : i32
      %add3A_825 = arith.addi %mul3A_814, %add3A_824 : i32
      %mul3A_826 = arith.mulf %gather3A_818, %select_n3A_812 : vector<16xf32>
      %swap3A_827 = arith.index_cast %add3A_825 : i32 to index
      %swap3A_828 = tpu.vector_load %arg13[%swap3A_827] {strides = array<i32>} : memref<12288xf32, #tpu.memory_space<vmem>>, vector<16xf32>,
      tpu.vector_store %arg13[%swap3A_827], %mul3A_826 {add = true, strides = array<i32>} : memref<12288xf32, #tpu.memory_space<vmem>>, vector<16xf32>,
      %broadcast_in_dim3A_829 = arith.constant 1 : i32
      %broadcast_in_dim3A_830 = vector.broadcast %broadcast_in_dim3A_829 : i32 to vector<16x1xi32>
      %gather3A_831 = vector.shape_cast %broadcast_in_dim3A_830 : vector<16x1xi32> to vector<16xi32>
      %gather3A_832 = tpu.dynamic_gather %select_n3A_805[%gather3A_831] in [0] : vector<16xf32>, vector<16xi32> -> vector<16xf32>
      %add3A_833 = arith.constant 16 : i32
      %add3A_834 = arith.addi %mul3A_814, %add3A_833 : i32
      %mul3A_835 = arith.mulf %gather3A_832, %select_n3A_805 : vector<16xf32>
      %swap3A_836 = arith.index_cast %add3A_834 : i32 to index
      %swap3A_837 = tpu.vector_load %arg13[%swap3A_836] {strides = array<i32>} : memref<12288xf32, #tpu.memory_space<vmem>>, vector<16xf32>,
      tpu.vector_store %arg13[%swap3A_836], %mul3A_835 {add = true, strides = array<i32>} : memref<12288xf32, #tpu.memory_space<vmem>>, vector<16xf32>,
      %add3A_838 = arith.constant 256 : i32
      %add3A_839 = arith.addi %mul3A_814, %add3A_838 : i32
      %mul3A_840 = arith.mulf %gather3A_832, %select_n3A_812 : vector<16xf32>
      %swap3A_841 = arith.index_cast %add3A_839 : i32 to index
      %swap3A_842 = tpu.vector_load %arg13[%swap3A_841] {strides = array<i32>} : memref<12288xf32, #tpu.memory_space<vmem>>, vector<16xf32>,
      tpu.vector_store %arg13[%swap3A_841], %mul3A_840 {add = true, strides = array<i32>} : memref<12288xf32, #tpu.memory_space<vmem>>, vector<16xf32>,
      %broadcast_in_dim3A_843 = arith.constant 2 : i32
      %broadcast_in_dim3A_844 = vector.broadcast %broadcast_in_dim3A_843 : i32 to vector<16x1xi32>
      %gather3A_845 = vector.shape_cast %broadcast_in_dim3A_844 : vector<16x1xi32> to vector<16xi32>
      %gather3A_846 = tpu.dynamic_gather %select_n3A_805[%gather3A_845] in [0] : vector<16xf32>, vector<16xi32> -> vector<16xf32>
      %add3A_847 = arith.constant 32 : i32
      %add3A_848 = arith.addi %mul3A_814, %add3A_847 : i32
      %mul3A_849 = arith.mulf %gather3A_846, %select_n3A_805 : vector<16xf32>
      %swap3A_850 = arith.index_cast %add3A_848 : i32 to index
      %swap3A_851 = tpu.vector_load %arg13[%swap3A_850] {strides = array<i32>} : memref<12288xf32, #tpu.memory_space<vmem>>, vector<16xf32>,
      tpu.vector_store %arg13[%swap3A_850], %mul3A_849 {add = true, strides = array<i32>} : memref<12288xf32, #tpu.memory_space<vmem>>, vector<16xf32>,
      %add3A_852 = arith.constant 272 : i32
      %add3A_853 = arith.addi %mul3A_814, %add3A_852 : i32
      %mul3A_854 = arith.mulf %gather3A_846, %select_n3A_812 : vector<16xf32>
      %swap3A_855 = arith.index_cast %add3A_853 : i32 to index
      %swap3A_856 = tpu.vector_load %arg13[%swap3A_855] {strides = array<i32>} : memref<12288xf32, #tpu.memory_space<vmem>>, vector<16xf32>,
      tpu.vector_store %arg13[%swap3A_855], %mul3A_854 {add = true, strides = array<i32>} : memref<12288xf32, #tpu.memory_space<vmem>>, vector<16xf32>,
      %broadcast_in_dim3A_857 = arith.constant 3 : i32
      %broadcast_in_dim3A_858 = vector.broadcast %broadcast_in_dim3A_857 : i32 to vector<16x1xi32>
      %gather3A_859 = vector.shape_cast %broadcast_in_dim3A_858 : vector<16x1xi32> to vector<16xi32>
      %gather3A_860 = tpu.dynamic_gather %select_n3A_805[%gather3A_859] in [0] : vector<16xf32>, vector<16xi32> -> vector<16xf32>
      %add3A_861 = arith.constant 48 : i32
      %add3A_862 = arith.addi %mul3A_814, %add3A_861 : i32
      %mul3A_863 = arith.mulf %gather3A_860, %select_n3A_805 : vector<16xf32>
      %swap3A_864 = arith.index_cast %add3A_862 : i32 to index
      %swap3A_865 = tpu.vector_load %arg13[%swap3A_864] {strides = array<i32>} : memref<12288xf32, #tpu.memory_space<vmem>>, vector<16xf32>,
      tpu.vector_store %arg13[%swap3A_864], %mul3A_863 {add = true, strides = array<i32>} : memref<12288xf32, #tpu.memory_space<vmem>>, vector<16xf32>,
      %add3A_866 = arith.constant 288 : i32
      %add3A_867 = arith.addi %mul3A_814, %add3A_866 : i32
      %mul3A_868 = arith.mulf %gather3A_860, %select_n3A_812 : vector<16xf32>
      %swap3A_869 = arith.index_cast %add3A_867 : i32 to index
      %swap3A_870 = tpu.vector_load %arg13[%swap3A_869] {strides = array<i32>} : memref<12288xf32, #tpu.memory_space<vmem>>, vector<16xf32>,
      tpu.vector_store %arg13[%swap3A_869], %mul3A_868 {add = true, strides = array<i32>} : memref<12288xf32, #tpu.memory_space<vmem>>, vector<16xf32>,
      %broadcast_in_dim3A_871 = arith.constant 4 : i32
      %broadcast_in_dim3A_872 = vector.broadcast %broadcast_in_dim3A_871 : i32 to vector<16x1xi32>
      %gather3A_873 = vector.shape_cast %broadcast_in_dim3A_872 : vector<16x1xi32> to vector<16xi32>
      %gather3A_874 = tpu.dynamic_gather %select_n3A_805[%gather3A_873] in [0] : vector<16xf32>, vector<16xi32> -> vector<16xf32>
      %add3A_875 = arith.constant 64 : i32
      %add3A_876 = arith.addi %mul3A_814, %add3A_875 : i32
      %mul3A_877 = arith.mulf %gather3A_874, %select_n3A_805 : vector<16xf32>
      %swap3A_878 = arith.index_cast %add3A_876 : i32 to index
      %swap3A_879 = tpu.vector_load %arg13[%swap3A_878] {strides = array<i32>} : memref<12288xf32, #tpu.memory_space<vmem>>, vector<16xf32>,
      tpu.vector_store %arg13[%swap3A_878], %mul3A_877 {add = true, strides = array<i32>} : memref<12288xf32, #tpu.memory_space<vmem>>, vector<16xf32>,
      %add3A_880 = arith.constant 304 : i32
      %add3A_881 = arith.addi %mul3A_814, %add3A_880 : i32
      %mul3A_882 = arith.mulf %gather3A_874, %select_n3A_812 : vector<16xf32>
      %swap3A_883 = arith.index_cast %add3A_881 : i32 to index
      %swap3A_884 = tpu.vector_load %arg13[%swap3A_883] {strides = array<i32>} : memref<12288xf32, #tpu.memory_space<vmem>>, vector<16xf32>,
      tpu.vector_store %arg13[%swap3A_883], %mul3A_882 {add = true, strides = array<i32>} : memref<12288xf32, #tpu.memory_space<vmem>>, vector<16xf32>,
      %broadcast_in_dim3A_885 = arith.constant 5 : i32
      %broadcast_in_dim3A_886 = vector.broadcast %broadcast_in_dim3A_885 : i32 to vector<16x1xi32>
      %gather3A_887 = vector.shape_cast %broadcast_in_dim3A_886 : vector<16x1xi32> to vector<16xi32>
      %gather3A_888 = tpu.dynamic_gather %select_n3A_805[%gather3A_887] in [0] : vector<16xf32>, vector<16xi32> -> vector<16xf32>
      %add3A_889 = arith.constant 80 : i32
      %add3A_890 = arith.addi %mul3A_814, %add3A_889 : i32
      %mul3A_891 = arith.mulf %gather3A_888, %select_n3A_805 : vector<16xf32>
      %swap3A_892 = arith.index_cast %add3A_890 : i32 to index
      %swap3A_893 = tpu.vector_load %arg13[%swap3A_892] {strides = array<i32>} : memref<12288xf32, #tpu.memory_space<vmem>>, vector<16xf32>,
      tpu.vector_store %arg13[%swap3A_892], %mul3A_891 {add = true, strides = array<i32>} : memref<12288xf32, #tpu.memory_space<vmem>>, vector<16xf32>,
      %add3A_894 = arith.constant 320 : i32
      %add3A_895 = arith.addi %mul3A_814, %add3A_894 : i32
      %mul3A_896 = arith.mulf %gather3A_888, %select_n3A_812 : vector<16xf32>
      %swap3A_897 = arith.index_cast %add3A_895 : i32 to index
      %swap3A_898 = tpu.vector_load %arg13[%swap3A_897] {strides = array<i32>} : memref<12288xf32, #tpu.memory_space<vmem>>, vector<16xf32>,
      tpu.vector_store %arg13[%swap3A_897], %mul3A_896 {add = true, strides = array<i32>} : memref<12288xf32, #tpu.memory_space<vmem>>, vector<16xf32>,
      %broadcast_in_dim3A_899 = arith.constant 6 : i32
      %broadcast_in_dim3A_900 = vector.broadcast %broadcast_in_dim3A_899 : i32 to vector<16x1xi32>
      %gather3A_901 = vector.shape_cast %broadcast_in_dim3A_900 : vector<16x1xi32> to vector<16xi32>
      %gather3A_902 = tpu.dynamic_gather %select_n3A_805[%gather3A_901] in [0] : vector<16xf32>, vector<16xi32> -> vector<16xf32>
      %add3A_903 = arith.constant 96 : i32
      %add3A_904 = arith.addi %mul3A_814, %add3A_903 : i32
      %mul3A_905 = arith.mulf %gather3A_902, %select_n3A_805 : vector<16xf32>
      %swap3A_906 = arith.index_cast %add3A_904 : i32 to index
      %swap3A_907 = tpu.vector_load %arg13[%swap3A_906] {strides = array<i32>} : memref<12288xf32, #tpu.memory_space<vmem>>, vector<16xf32>,
      tpu.vector_store %arg13[%swap3A_906], %mul3A_905 {add = true, strides = array<i32>} : memref<12288xf32, #tpu.memory_space<vmem>>, vector<16xf32>,
      %add3A_908 = arith.constant 336 : i32
      %add3A_909 = arith.addi %mul3A_814, %add3A_908 : i32
      %mul3A_910 = arith.mulf %gather3A_902, %select_n3A_812 : vector<16xf32>
      %swap3A_911 = arith.index_cast %add3A_909 : i32 to index
      %swap3A_912 = tpu.vector_load %arg13[%swap3A_911] {strides = array<i32>} : memref<12288xf32, #tpu.memory_space<vmem>>, vector<16xf32>,
      tpu.vector_store %arg13[%swap3A_911], %mul3A_910 {add = true, strides = array<i32>} : memref<12288xf32, #tpu.memory_space<vmem>>, vector<16xf32>,
      %broadcast_in_dim3A_913 = arith.constant 7 : i32
      %broadcast_in_dim3A_914 = vector.broadcast %broadcast_in_dim3A_913 : i32 to vector<16x1xi32>
      %gather3A_915 = vector.shape_cast %broadcast_in_dim3A_914 : vector<16x1xi32> to vector<16xi32>
      %gather3A_916 = tpu.dynamic_gather %select_n3A_805[%gather3A_915] in [0] : vector<16xf32>, vector<16xi32> -> vector<16xf32>
      %add3A_917 = arith.constant 112 : i32
      %add3A_918 = arith.addi %mul3A_814, %add3A_917 : i32
      %mul3A_919 = arith.mulf %gather3A_916, %select_n3A_805 : vector<16xf32>
      %swap3A_920 = arith.index_cast %add3A_918 : i32 to index
      %swap3A_921 = tpu.vector_load %arg13[%swap3A_920] {strides = array<i32>} : memref<12288xf32, #tpu.memory_space<vmem>>, vector<16xf32>,
      tpu.vector_store %arg13[%swap3A_920], %mul3A_919 {add = true, strides = array<i32>} : memref<12288xf32, #tpu.memory_space<vmem>>, vector<16xf32>,
      %add3A_922 = arith.constant 352 : i32
      %add3A_923 = arith.addi %mul3A_814, %add3A_922 : i32
      %mul3A_924 = arith.mulf %gather3A_916, %select_n3A_812 : vector<16xf32>
      %swap3A_925 = arith.index_cast %add3A_923 : i32 to index
      %swap3A_926 = tpu.vector_load %arg13[%swap3A_925] {strides = array<i32>} : memref<12288xf32, #tpu.memory_space<vmem>>, vector<16xf32>,
      tpu.vector_store %arg13[%swap3A_925], %mul3A_924 {add = true, strides = array<i32>} : memref<12288xf32, #tpu.memory_space<vmem>>, vector<16xf32>,
      %broadcast_in_dim3A_927 = arith.constant 8 : i32
      %broadcast_in_dim3A_928 = vector.broadcast %broadcast_in_dim3A_927 : i32 to vector<16x1xi32>
      %gather3A_929 = vector.shape_cast %broadcast_in_dim3A_928 : vector<16x1xi32> to vector<16xi32>
      %gather3A_930 = tpu.dynamic_gather %select_n3A_805[%gather3A_929] in [0] : vector<16xf32>, vector<16xi32> -> vector<16xf32>
      %add3A_931 = arith.constant 128 : i32
      %add3A_932 = arith.addi %mul3A_814, %add3A_931 : i32
      %mul3A_933 = arith.mulf %gather3A_930, %select_n3A_805 : vector<16xf32>
      %swap3A_934 = arith.index_cast %add3A_932 : i32 to index
      %swap3A_935 = tpu.vector_load %arg13[%swap3A_934] {strides = array<i32>} : memref<12288xf32, #tpu.memory_space<vmem>>, vector<16xf32>,
      tpu.vector_store %arg13[%swap3A_934], %mul3A_933 {add = true, strides = array<i32>} : memref<12288xf32, #tpu.memory_space<vmem>>, vector<16xf32>,
      %add3A_936 = arith.constant 368 : i32
      %add3A_937 = arith.addi %mul3A_814, %add3A_936 : i32
      %mul3A_938 = arith.mulf %gather3A_930, %select_n3A_812 : vector<16xf32>
      %swap3A_939 = arith.index_cast %add3A_937 : i32 to index
      %swap3A_940 = tpu.vector_load %arg13[%swap3A_939] {strides = array<i32>} : memref<12288xf32, #tpu.memory_space<vmem>>, vector<16xf32>,
      tpu.vector_store %arg13[%swap3A_939], %mul3A_938 {add = true, strides = array<i32>} : memref<12288xf32, #tpu.memory_space<vmem>>, vector<16xf32>,
      %broadcast_in_dim3A_941 = arith.constant 9 : i32
      %broadcast_in_dim3A_942 = vector.broadcast %broadcast_in_dim3A_941 : i32 to vector<16x1xi32>
      %gather3A_943 = vector.shape_cast %broadcast_in_dim3A_942 : vector<16x1xi32> to vector<16xi32>
      %gather3A_944 = tpu.dynamic_gather %select_n3A_805[%gather3A_943] in [0] : vector<16xf32>, vector<16xi32> -> vector<16xf32>
      %add3A_945 = arith.constant 144 : i32
      %add3A_946 = arith.addi %mul3A_814, %add3A_945 : i32
      %mul3A_947 = arith.mulf %gather3A_944, %select_n3A_805 : vector<16xf32>
      %swap3A_948 = arith.index_cast %add3A_946 : i32 to index
      %swap3A_949 = tpu.vector_load %arg13[%swap3A_948] {strides = array<i32>} : memref<12288xf32, #tpu.memory_space<vmem>>, vector<16xf32>,
      tpu.vector_store %arg13[%swap3A_948], %mul3A_947 {add = true, strides = array<i32>} : memref<12288xf32, #tpu.memory_space<vmem>>, vector<16xf32>,
      %add3A_950 = arith.constant 384 : i32
      %add3A_951 = arith.addi %mul3A_814, %add3A_950 : i32
      %mul3A_952 = arith.mulf %gather3A_944, %select_n3A_812 : vector<16xf32>
      %swap3A_953 = arith.index_cast %add3A_951 : i32 to index
      %swap3A_954 = tpu.vector_load %arg13[%swap3A_953] {strides = array<i32>} : memref<12288xf32, #tpu.memory_space<vmem>>, vector<16xf32>,
      tpu.vector_store %arg13[%swap3A_953], %mul3A_952 {add = true, strides = array<i32>} : memref<12288xf32, #tpu.memory_space<vmem>>, vector<16xf32>,
      %broadcast_in_dim3A_955 = arith.constant 10 : i32
      %broadcast_in_dim3A_956 = vector.broadcast %broadcast_in_dim3A_955 : i32 to vector<16x1xi32>
      %gather3A_957 = vector.shape_cast %broadcast_in_dim3A_956 : vector<16x1xi32> to vector<16xi32>
      %gather3A_958 = tpu.dynamic_gather %select_n3A_805[%gather3A_957] in [0] : vector<16xf32>, vector<16xi32> -> vector<16xf32>
      %add3A_959 = arith.constant 160 : i32
      %add3A_960 = arith.addi %mul3A_814, %add3A_959 : i32
      %mul3A_961 = arith.mulf %gather3A_958, %select_n3A_805 : vector<16xf32>
      %swap3A_962 = arith.index_cast %add3A_960 : i32 to index
      %swap3A_963 = tpu.vector_load %arg13[%swap3A_962] {strides = array<i32>} : memref<12288xf32, #tpu.memory_space<vmem>>, vector<16xf32>,
      tpu.vector_store %arg13[%swap3A_962], %mul3A_961 {add = true, strides = array<i32>} : memref<12288xf32, #tpu.memory_space<vmem>>, vector<16xf32>,
      %add3A_964 = arith.constant 400 : i32
      %add3A_965 = arith.addi %mul3A_814, %add3A_964 : i32
      %mul3A_966 = arith.mulf %gather3A_958, %select_n3A_812 : vector<16xf32>
      %swap3A_967 = arith.index_cast %add3A_965 : i32 to index
      %swap3A_968 = tpu.vector_load %arg13[%swap3A_967] {strides = array<i32>} : memref<12288xf32, #tpu.memory_space<vmem>>, vector<16xf32>,
      tpu.vector_store %arg13[%swap3A_967], %mul3A_966 {add = true, strides = array<i32>} : memref<12288xf32, #tpu.memory_space<vmem>>, vector<16xf32>,
      %broadcast_in_dim3A_969 = arith.constant 11 : i32
      %broadcast_in_dim3A_970 = vector.broadcast %broadcast_in_dim3A_969 : i32 to vector<16x1xi32>
      %gather3A_971 = vector.shape_cast %broadcast_in_dim3A_970 : vector<16x1xi32> to vector<16xi32>
      %gather3A_972 = tpu.dynamic_gather %select_n3A_805[%gather3A_971] in [0] : vector<16xf32>, vector<16xi32> -> vector<16xf32>
      %add3A_973 = arith.constant 176 : i32
      %add3A_974 = arith.addi %mul3A_814, %add3A_973 : i32
      %mul3A_975 = arith.mulf %gather3A_972, %select_n3A_805 : vector<16xf32>
      %swap3A_976 = arith.index_cast %add3A_974 : i32 to index
      %swap3A_977 = tpu.vector_load %arg13[%swap3A_976] {strides = array<i32>} : memref<12288xf32, #tpu.memory_space<vmem>>, vector<16xf32>,
      tpu.vector_store %arg13[%swap3A_976], %mul3A_975 {add = true, strides = array<i32>} : memref<12288xf32, #tpu.memory_space<vmem>>, vector<16xf32>,
      %add3A_978 = arith.constant 416 : i32
      %add3A_979 = arith.addi %mul3A_814, %add3A_978 : i32
      %mul3A_980 = arith.mulf %gather3A_972, %select_n3A_812 : vector<16xf32>
      %swap3A_981 = arith.index_cast %add3A_979 : i32 to index
      %swap3A_982 = tpu.vector_load %arg13[%swap3A_981] {strides = array<i32>} : memref<12288xf32, #tpu.memory_space<vmem>>, vector<16xf32>,
      tpu.vector_store %arg13[%swap3A_981], %mul3A_980 {add = true, strides = array<i32>} : memref<12288xf32, #tpu.memory_space<vmem>>, vector<16xf32>,
      %broadcast_in_dim3A_983 = arith.constant 12 : i32
      %broadcast_in_dim3A_984 = vector.broadcast %broadcast_in_dim3A_983 : i32 to vector<16x1xi32>
      %gather3A_985 = vector.shape_cast %broadcast_in_dim3A_984 : vector<16x1xi32> to vector<16xi32>
      %gather3A_986 = tpu.dynamic_gather %select_n3A_805[%gather3A_985] in [0] : vector<16xf32>, vector<16xi32> -> vector<16xf32>
      %add3A_987 = arith.constant 192 : i32
      %add3A_988 = arith.addi %mul3A_814, %add3A_987 : i32
      %mul3A_989 = arith.mulf %gather3A_986, %select_n3A_805 : vector<16xf32>
      %swap3A_990 = arith.index_cast %add3A_988 : i32 to index
      %swap3A_991 = tpu.vector_load %arg13[%swap3A_990] {strides = array<i32>} : memref<12288xf32, #tpu.memory_space<vmem>>, vector<16xf32>,
      tpu.vector_store %arg13[%swap3A_990], %mul3A_989 {add = true, strides = array<i32>} : memref<12288xf32, #tpu.memory_space<vmem>>, vector<16xf32>,
      %add3A_992 = arith.constant 432 : i32
      %add3A_993 = arith.addi %mul3A_814, %add3A_992 : i32
      %mul3A_994 = arith.mulf %gather3A_986, %select_n3A_812 : vector<16xf32>
      %swap3A_995 = arith.index_cast %add3A_993 : i32 to index
      %swap3A_996 = tpu.vector_load %arg13[%swap3A_995] {strides = array<i32>} : memref<12288xf32, #tpu.memory_space<vmem>>, vector<16xf32>,
      tpu.vector_store %arg13[%swap3A_995], %mul3A_994 {add = true, strides = array<i32>} : memref<12288xf32, #tpu.memory_space<vmem>>, vector<16xf32>,
      %broadcast_in_dim3A_997 = arith.constant 13 : i32
      %broadcast_in_dim3A_998 = vector.broadcast %broadcast_in_dim3A_997 : i32 to vector<16x1xi32>
      %gather3A_999 = vector.shape_cast %broadcast_in_dim3A_998 : vector<16x1xi32> to vector<16xi32>
      %gather3A_1000 = tpu.dynamic_gather %select_n3A_805[%gather3A_999] in [0] : vector<16xf32>, vector<16xi32> -> vector<16xf32>
      %add3A_1001 = arith.constant 208 : i32
      %add3A_1002 = arith.addi %mul3A_814, %add3A_1001 : i32
      %mul3A_1003 = arith.mulf %gather3A_1000, %select_n3A_805 : vector<16xf32>
      %swap3A_1004 = arith.index_cast %add3A_1002 : i32 to index
      %swap3A_1005 = tpu.vector_load %arg13[%swap3A_1004] {strides = array<i32>} : memref<12288xf32, #tpu.memory_space<vmem>>, vector<16xf32>,
      tpu.vector_store %arg13[%swap3A_1004], %mul3A_1003 {add = true, strides = array<i32>} : memref<12288xf32, #tpu.memory_space<vmem>>, vector<16xf32>,
      %add3A_1006 = arith.constant 448 : i32
      %add3A_1007 = arith.addi %mul3A_814, %add3A_1006 : i32
      %mul3A_1008 = arith.mulf %gather3A_1000, %select_n3A_812 : vector<16xf32>
      %swap3A_1009 = arith.index_cast %add3A_1007 : i32 to index
      %swap3A_1010 = tpu.vector_load %arg13[%swap3A_1009] {strides = array<i32>} : memref<12288xf32, #tpu.memory_space<vmem>>, vector<16xf32>,
      tpu.vector_store %arg13[%swap3A_1009], %mul3A_1008 {add = true, strides = array<i32>} : memref<12288xf32, #tpu.memory_space<vmem>>, vector<16xf32>,
      %broadcast_in_dim3A_1011 = arith.constant 14 : i32
      %broadcast_in_dim3A_1012 = vector.broadcast %broadcast_in_dim3A_1011 : i32 to vector<16x1xi32>
      %gather3A_1013 = vector.shape_cast %broadcast_in_dim3A_1012 : vector<16x1xi32> to vector<16xi32>
      %gather3A_1014 = tpu.dynamic_gather %select_n3A_805[%gather3A_1013] in [0] : vector<16xf32>, vector<16xi32> -> vector<16xf32>
      %add3A_1015 = arith.constant 224 : i32
      %add3A_1016 = arith.addi %mul3A_814, %add3A_1015 : i32
      %mul3A_1017 = arith.mulf %gather3A_1014, %select_n3A_805 : vector<16xf32>
      %swap3A_1018 = arith.index_cast %add3A_1016 : i32 to index
      %swap3A_1019 = tpu.vector_load %arg13[%swap3A_1018] {strides = array<i32>} : memref<12288xf32, #tpu.memory_space<vmem>>, vector<16xf32>,
      tpu.vector_store %arg13[%swap3A_1018], %mul3A_1017 {add = true, strides = array<i32>} : memref<12288xf32, #tpu.memory_space<vmem>>, vector<16xf32>,
      %add3A_1020 = arith.constant 464 : i32
      %add3A_1021 = arith.addi %mul3A_814, %add3A_1020 : i32
      %mul3A_1022 = arith.mulf %gather3A_1014, %select_n3A_812 : vector<16xf32>
      %swap3A_1023 = arith.index_cast %add3A_1021 : i32 to index
      %swap3A_1024 = tpu.vector_load %arg13[%swap3A_1023] {strides = array<i32>} : memref<12288xf32, #tpu.memory_space<vmem>>, vector<16xf32>,
      tpu.vector_store %arg13[%swap3A_1023], %mul3A_1022 {add = true, strides = array<i32>} : memref<12288xf32, #tpu.memory_space<vmem>>, vector<16xf32>,
      %broadcast_in_dim3A_1025 = arith.constant 0 : i32
      %broadcast_in_dim3A_1026 = vector.broadcast %broadcast_in_dim3A_1025 : i32 to vector<16x1xi32>
      %gather3A_1027 = vector.shape_cast %broadcast_in_dim3A_1026 : vector<16x1xi32> to vector<16xi32>
      %gather3A_1028 = tpu.dynamic_gather %select_n3A_812[%gather3A_1027] in [0] : vector<16xf32>, vector<16xi32> -> vector<16xf32>
      %add3A_1029 = arith.constant 480 : i32
      %add3A_1030 = arith.addi %mul3A_814, %add3A_1029 : i32
      %mul3A_1031 = arith.mulf %gather3A_1028, %select_n3A_812 : vector<16xf32>
      %swap3A_1032 = arith.index_cast %add3A_1030 : i32 to index
      %swap3A_1033 = tpu.vector_load %arg13[%swap3A_1032] {strides = array<i32>} : memref<12288xf32, #tpu.memory_space<vmem>>, vector<16xf32>,
      tpu.vector_store %arg13[%swap3A_1032], %mul3A_1031 {add = true, strides = array<i32>} : memref<12288xf32, #tpu.memory_space<vmem>>, vector<16xf32>,
      %broadcast_in_dim3A_1034 = arith.constant 1 : i32
      %broadcast_in_dim3A_1035 = vector.broadcast %broadcast_in_dim3A_1034 : i32 to vector<16x1xi32>
      %gather3A_1036 = vector.shape_cast %broadcast_in_dim3A_1035 : vector<16x1xi32> to vector<16xi32>
      %gather3A_1037 = tpu.dynamic_gather %select_n3A_812[%gather3A_1036] in [0] : vector<16xf32>, vector<16xi32> -> vector<16xf32>
      %add3A_1038 = arith.constant 496 : i32
      %add3A_1039 = arith.addi %mul3A_814, %add3A_1038 : i32
      %mul3A_1040 = arith.mulf %gather3A_1037, %select_n3A_812 : vector<16xf32>
      %swap3A_1041 = arith.index_cast %add3A_1039 : i32 to index
      %swap3A_1042 = tpu.vector_load %arg13[%swap3A_1041] {strides = array<i32>} : memref<12288xf32, #tpu.memory_space<vmem>>, vector<16xf32>,
      tpu.vector_store %arg13[%swap3A_1041], %mul3A_1040 {add = true, strides = array<i32>} : memref<12288xf32, #tpu.memory_space<vmem>>, vector<16xf32>,
      %broadcast_in_dim3A_1043 = arith.constant 2 : i32
      %broadcast_in_dim3A_1044 = vector.broadcast %broadcast_in_dim3A_1043 : i32 to vector<16x1xi32>
      %gather3A_1045 = vector.shape_cast %broadcast_in_dim3A_1044 : vector<16x1xi32> to vector<16xi32>
      %gather3A_1046 = tpu.dynamic_gather %select_n3A_812[%gather3A_1045] in [0] : vector<16xf32>, vector<16xi32> -> vector<16xf32>
      %add3A_1047 = arith.constant 512 : i32
      %add3A_1048 = arith.addi %mul3A_814, %add3A_1047 : i32
      %mul3A_1049 = arith.mulf %gather3A_1046, %select_n3A_812 : vector<16xf32>
      %swap3A_1050 = arith.index_cast %add3A_1048 : i32 to index
      %swap3A_1051 = tpu.vector_load %arg13[%swap3A_1050] {strides = array<i32>} : memref<12288xf32, #tpu.memory_space<vmem>>, vector<16xf32>,
      tpu.vector_store %arg13[%swap3A_1050], %mul3A_1049 {add = true, strides = array<i32>} : memref<12288xf32, #tpu.memory_space<vmem>>, vector<16xf32>,
      %broadcast_in_dim3A_1052 = arith.constant 3 : i32
      %broadcast_in_dim3A_1053 = vector.broadcast %broadcast_in_dim3A_1052 : i32 to vector<16x1xi32>
      %gather3A_1054 = vector.shape_cast %broadcast_in_dim3A_1053 : vector<16x1xi32> to vector<16xi32>
      %gather3A_1055 = tpu.dynamic_gather %select_n3A_812[%gather3A_1054] in [0] : vector<16xf32>, vector<16xi32> -> vector<16xf32>
      %add3A_1056 = arith.constant 528 : i32
      %add3A_1057 = arith.addi %mul3A_814, %add3A_1056 : i32
      %mul3A_1058 = arith.mulf %gather3A_1055, %select_n3A_812 : vector<16xf32>
      %swap3A_1059 = arith.index_cast %add3A_1057 : i32 to index
      %swap3A_1060 = tpu.vector_load %arg13[%swap3A_1059] {strides = array<i32>} : memref<12288xf32, #tpu.memory_space<vmem>>, vector<16xf32>,
      tpu.vector_store %arg13[%swap3A_1059], %mul3A_1058 {add = true, strides = array<i32>} : memref<12288xf32, #tpu.memory_space<vmem>>, vector<16xf32>,
      %broadcast_in_dim3A_1061 = arith.constant 4 : i32
      %broadcast_in_dim3A_1062 = vector.broadcast %broadcast_in_dim3A_1061 : i32 to vector<16x1xi32>
      %gather3A_1063 = vector.shape_cast %broadcast_in_dim3A_1062 : vector<16x1xi32> to vector<16xi32>
      %gather3A_1064 = tpu.dynamic_gather %select_n3A_812[%gather3A_1063] in [0] : vector<16xf32>, vector<16xi32> -> vector<16xf32>
      %add3A_1065 = arith.constant 544 : i32
      %add3A_1066 = arith.addi %mul3A_814, %add3A_1065 : i32
      %mul3A_1067 = arith.mulf %gather3A_1064, %select_n3A_812 : vector<16xf32>
      %swap3A_1068 = arith.index_cast %add3A_1066 : i32 to index
      %swap3A_1069 = tpu.vector_load %arg13[%swap3A_1068] {strides = array<i32>} : memref<12288xf32, #tpu.memory_space<vmem>>, vector<16xf32>,
      tpu.vector_store %arg13[%swap3A_1068], %mul3A_1067 {add = true, strides = array<i32>} : memref<12288xf32, #tpu.memory_space<vmem>>, vector<16xf32>,
      %broadcast_in_dim3A_1070 = arith.constant 5 : i32
      %broadcast_in_dim3A_1071 = vector.broadcast %broadcast_in_dim3A_1070 : i32 to vector<16x1xi32>
      %gather3A_1072 = vector.shape_cast %broadcast_in_dim3A_1071 : vector<16x1xi32> to vector<16xi32>
      %gather3A_1073 = tpu.dynamic_gather %select_n3A_812[%gather3A_1072] in [0] : vector<16xf32>, vector<16xi32> -> vector<16xf32>
      %add3A_1074 = arith.constant 560 : i32
      %add3A_1075 = arith.addi %mul3A_814, %add3A_1074 : i32
      %mul3A_1076 = arith.mulf %gather3A_1073, %select_n3A_812 : vector<16xf32>
      %swap3A_1077 = arith.index_cast %add3A_1075 : i32 to index
      %swap3A_1078 = tpu.vector_load %arg13[%swap3A_1077] {strides = array<i32>} : memref<12288xf32, #tpu.memory_space<vmem>>, vector<16xf32>,
      tpu.vector_store %arg13[%swap3A_1077], %mul3A_1076 {add = true, strides = array<i32>} : memref<12288xf32, #tpu.memory_space<vmem>>, vector<16xf32>,
      %broadcast_in_dim3A_1079 = arith.constant 6 : i32
      %broadcast_in_dim3A_1080 = vector.broadcast %broadcast_in_dim3A_1079 : i32 to vector<16x1xi32>
      %gather3A_1081 = vector.shape_cast %broadcast_in_dim3A_1080 : vector<16x1xi32> to vector<16xi32>
      %gather3A_1082 = tpu.dynamic_gather %select_n3A_812[%gather3A_1081] in [0] : vector<16xf32>, vector<16xi32> -> vector<16xf32>
      %add3A_1083 = arith.constant 576 : i32
      %add3A_1084 = arith.addi %mul3A_814, %add3A_1083 : i32
      %mul3A_1085 = arith.mulf %gather3A_1082, %select_n3A_812 : vector<16xf32>
      %swap3A_1086 = arith.index_cast %add3A_1084 : i32 to index
      %swap3A_1087 = tpu.vector_load %arg13[%swap3A_1086] {strides = array<i32>} : memref<12288xf32, #tpu.memory_space<vmem>>, vector<16xf32>,
      tpu.vector_store %arg13[%swap3A_1086], %mul3A_1085 {add = true, strides = array<i32>} : memref<12288xf32, #tpu.memory_space<vmem>>, vector<16xf32>,
      %broadcast_in_dim3A_1088 = arith.constant 7 : i32
      %broadcast_in_dim3A_1089 = vector.broadcast %broadcast_in_dim3A_1088 : i32 to vector<16x1xi32>
      %gather3A_1090 = vector.shape_cast %broadcast_in_dim3A_1089 : vector<16x1xi32> to vector<16xi32>
      %gather3A_1091 = tpu.dynamic_gather %select_n3A_812[%gather3A_1090] in [0] : vector<16xf32>, vector<16xi32> -> vector<16xf32>
      %add3A_1092 = arith.constant 592 : i32
      %add3A_1093 = arith.addi %mul3A_814, %add3A_1092 : i32
      %mul3A_1094 = arith.mulf %gather3A_1091, %select_n3A_812 : vector<16xf32>
      %swap3A_1095 = arith.index_cast %add3A_1093 : i32 to index
      %swap3A_1096 = tpu.vector_load %arg13[%swap3A_1095] {strides = array<i32>} : memref<12288xf32, #tpu.memory_space<vmem>>, vector<16xf32>,
      tpu.vector_store %arg13[%swap3A_1095], %mul3A_1094 {add = true, strides = array<i32>} : memref<12288xf32, #tpu.memory_space<vmem>>, vector<16xf32>,
      %broadcast_in_dim3A_1097 = arith.constant 8 : i32
      %broadcast_in_dim3A_1098 = vector.broadcast %broadcast_in_dim3A_1097 : i32 to vector<16x1xi32>
      %gather3A_1099 = vector.shape_cast %broadcast_in_dim3A_1098 : vector<16x1xi32> to vector<16xi32>
      %gather3A_1100 = tpu.dynamic_gather %select_n3A_812[%gather3A_1099] in [0] : vector<16xf32>, vector<16xi32> -> vector<16xf32>
      %add3A_1101 = arith.constant 608 : i32
      %add3A_1102 = arith.addi %mul3A_814, %add3A_1101 : i32
      %mul3A_1103 = arith.mulf %gather3A_1100, %select_n3A_812 : vector<16xf32>
      %swap3A_1104 = arith.index_cast %add3A_1102 : i32 to index
      %swap3A_1105 = tpu.vector_load %arg13[%swap3A_1104] {strides = array<i32>} : memref<12288xf32, #tpu.memory_space<vmem>>, vector<16xf32>,
      tpu.vector_store %arg13[%swap3A_1104], %mul3A_1103 {add = true, strides = array<i32>} : memref<12288xf32, #tpu.memory_space<vmem>>, vector<16xf32>,
      %broadcast_in_dim3A_1106 = arith.constant 9 : i32
      %broadcast_in_dim3A_1107 = vector.broadcast %broadcast_in_dim3A_1106 : i32 to vector<16x1xi32>
      %gather3A_1108 = vector.shape_cast %broadcast_in_dim3A_1107 : vector<16x1xi32> to vector<16xi32>
      %gather3A_1109 = tpu.dynamic_gather %select_n3A_812[%gather3A_1108] in [0] : vector<16xf32>, vector<16xi32> -> vector<16xf32>
      %add3A_1110 = arith.constant 624 : i32
      %add3A_1111 = arith.addi %mul3A_814, %add3A_1110 : i32
      %mul3A_1112 = arith.mulf %gather3A_1109, %select_n3A_812 : vector<16xf32>
      %swap3A_1113 = arith.index_cast %add3A_1111 : i32 to index
      %swap3A_1114 = tpu.vector_load %arg13[%swap3A_1113] {strides = array<i32>} : memref<12288xf32, #tpu.memory_space<vmem>>, vector<16xf32>,
      tpu.vector_store %arg13[%swap3A_1113], %mul3A_1112 {add = true, strides = array<i32>} : memref<12288xf32, #tpu.memory_space<vmem>>, vector<16xf32>,
      %broadcast_in_dim3A_1115 = arith.constant 10 : i32
      %broadcast_in_dim3A_1116 = vector.broadcast %broadcast_in_dim3A_1115 : i32 to vector<16x1xi32>
      %gather3A_1117 = vector.shape_cast %broadcast_in_dim3A_1116 : vector<16x1xi32> to vector<16xi32>
      %gather3A_1118 = tpu.dynamic_gather %select_n3A_812[%gather3A_1117] in [0] : vector<16xf32>, vector<16xi32> -> vector<16xf32>
      %add3A_1119 = arith.constant 640 : i32
      %add3A_1120 = arith.addi %mul3A_814, %add3A_1119 : i32
      %mul3A_1121 = arith.mulf %gather3A_1118, %select_n3A_812 : vector<16xf32>
      %swap3A_1122 = arith.index_cast %add3A_1120 : i32 to index
      %swap3A_1123 = tpu.vector_load %arg13[%swap3A_1122] {strides = array<i32>} : memref<12288xf32, #tpu.memory_space<vmem>>, vector<16xf32>,
      tpu.vector_store %arg13[%swap3A_1122], %mul3A_1121 {add = true, strides = array<i32>} : memref<12288xf32, #tpu.memory_space<vmem>>, vector<16xf32>,
      %broadcast_in_dim3A_1124 = arith.constant 11 : i32
      %broadcast_in_dim3A_1125 = vector.broadcast %broadcast_in_dim3A_1124 : i32 to vector<16x1xi32>
      %gather3A_1126 = vector.shape_cast %broadcast_in_dim3A_1125 : vector<16x1xi32> to vector<16xi32>
      %gather3A_1127 = tpu.dynamic_gather %select_n3A_812[%gather3A_1126] in [0] : vector<16xf32>, vector<16xi32> -> vector<16xf32>
      %add3A_1128 = arith.constant 656 : i32
      %add3A_1129 = arith.addi %mul3A_814, %add3A_1128 : i32
      %mul3A_1130 = arith.mulf %gather3A_1127, %select_n3A_812 : vector<16xf32>
      %swap3A_1131 = arith.index_cast %add3A_1129 : i32 to index
      %swap3A_1132 = tpu.vector_load %arg13[%swap3A_1131] {strides = array<i32>} : memref<12288xf32, #tpu.memory_space<vmem>>, vector<16xf32>,
      tpu.vector_store %arg13[%swap3A_1131], %mul3A_1130 {add = true, strides = array<i32>} : memref<12288xf32, #tpu.memory_space<vmem>>, vector<16xf32>,
      %broadcast_in_dim3A_1133 = arith.constant 12 : i32
      %broadcast_in_dim3A_1134 = vector.broadcast %broadcast_in_dim3A_1133 : i32 to vector<16x1xi32>
      %gather3A_1135 = vector.shape_cast %broadcast_in_dim3A_1134 : vector<16x1xi32> to vector<16xi32>
      %gather3A_1136 = tpu.dynamic_gather %select_n3A_812[%gather3A_1135] in [0] : vector<16xf32>, vector<16xi32> -> vector<16xf32>
      %add3A_1137 = arith.constant 672 : i32
      %add3A_1138 = arith.addi %mul3A_814, %add3A_1137 : i32
      %mul3A_1139 = arith.mulf %gather3A_1136, %select_n3A_812 : vector<16xf32>
      %swap3A_1140 = arith.index_cast %add3A_1138 : i32 to index
      %swap3A_1141 = tpu.vector_load %arg13[%swap3A_1140] {strides = array<i32>} : memref<12288xf32, #tpu.memory_space<vmem>>, vector<16xf32>,
      tpu.vector_store %arg13[%swap3A_1140], %mul3A_1139 {add = true, strides = array<i32>} : memref<12288xf32, #tpu.memory_space<vmem>>, vector<16xf32>,
      %broadcast_in_dim3A_1142 = arith.constant 13 : i32
      %broadcast_in_dim3A_1143 = vector.broadcast %broadcast_in_dim3A_1142 : i32 to vector<16x1xi32>
      %gather3A_1144 = vector.shape_cast %broadcast_in_dim3A_1143 : vector<16x1xi32> to vector<16xi32>
      %gather3A_1145 = tpu.dynamic_gather %select_n3A_812[%gather3A_1144] in [0] : vector<16xf32>, vector<16xi32> -> vector<16xf32>
      %add3A_1146 = arith.constant 688 : i32
      %add3A_1147 = arith.addi %mul3A_814, %add3A_1146 : i32
      %mul3A_1148 = arith.mulf %gather3A_1145, %select_n3A_812 : vector<16xf32>
      %swap3A_1149 = arith.index_cast %add3A_1147 : i32 to index
      %swap3A_1150 = tpu.vector_load %arg13[%swap3A_1149] {strides = array<i32>} : memref<12288xf32, #tpu.memory_space<vmem>>, vector<16xf32>,
      tpu.vector_store %arg13[%swap3A_1149], %mul3A_1148 {add = true, strides = array<i32>} : memref<12288xf32, #tpu.memory_space<vmem>>, vector<16xf32>,
      %add3A_1151 = arith.constant 3 : i32
      %add3A_1152 = arith.addi %mul3A_84, %add3A_1151 : i32
      %slice3A_1153 = vector.extract_strided_slice %add3A_91 {offsets = [3], sizes = [1], strides = [1]} : vector<16xi32> to vector<1xi32>
      %squeeze3A_1154 = vector.extract %slice3A_1153[0] : i32 from vector<1xi32>
      %mul3A_1155 = arith.constant 14 : i32
      %mul3A_1156 = arith.muli %add3A_1152, %mul3A_1155 : i32
      %get3A_1157 = arith.index_cast %mul3A_1156 : i32 to index
      %get3A_1158 = tpu.vector_load %arg8[%get3A_1157] {strides = array<i32>} : memref<14352xf32, #tpu.memory_space<vmem>>, vector<16xf32>,
      %select_n3A_1159 = arith.select %lt3A_61, %get3A_1158, %select_n3A : vector<16xi1>, vector<16xf32>
      %mul3A_1160 = arith.constant 14 : i32
      %mul3A_1161 = arith.muli %add3A_1152, %mul3A_1160 : i32
      %get3A_1162 = arith.index_cast %mul3A_1161 : i32 to index
      %get3A_1163 = tpu.vector_load %arg9[%get3A_1162] {strides = array<i32>} : memref<14352xf32, #tpu.memory_space<vmem>>, vector<16xf32>,
      %jit3A_1164 = arith.constant 0.000000e+00 : f32
      %broadcast_in_dim3A_1165 = vector.broadcast %jit3A_1164 : f32 to vector<16xf32>
      %select_n3A_1166 = arith.select %lt3A_61, %get3A_1163, %broadcast_in_dim3A_1165 : vector<16xi1>, vector<16xf32>
      %mul3A_1167 = arith.constant 768 : i32
      %mul3A_1168 = arith.muli %squeeze3A_1154, %mul3A_1167 : i32
      %broadcast_in_dim3A_1169 = arith.constant 0 : i32
      %broadcast_in_dim3A_1170 = vector.broadcast %broadcast_in_dim3A_1169 : i32 to vector<16x1xi32>
      %gather3A_1171 = vector.shape_cast %broadcast_in_dim3A_1170 : vector<16x1xi32> to vector<16xi32>
      %gather3A_1172 = tpu.dynamic_gather %select_n3A_1159[%gather3A_1171] in [0] : vector<16xf32>, vector<16xi32> -> vector<16xf32>
      %add3A_1173 = arith.constant 0 : i32
      %add3A_1174 = arith.addi %mul3A_1168, %add3A_1173 : i32
      %mul3A_1175 = arith.mulf %gather3A_1172, %select_n3A_1159 : vector<16xf32>
      %swap3A_1176 = arith.index_cast %add3A_1174 : i32 to index
      %swap3A_1177 = tpu.vector_load %arg13[%swap3A_1176] {strides = array<i32>} : memref<12288xf32, #tpu.memory_space<vmem>>, vector<16xf32>,
      tpu.vector_store %arg13[%swap3A_1176], %mul3A_1175 {add = true, strides = array<i32>} : memref<12288xf32, #tpu.memory_space<vmem>>, vector<16xf32>,
      %add3A_1178 = arith.constant 240 : i32
      %add3A_1179 = arith.addi %mul3A_1168, %add3A_1178 : i32
      %mul3A_1180 = arith.mulf %gather3A_1172, %select_n3A_1166 : vector<16xf32>
      %swap3A_1181 = arith.index_cast %add3A_1179 : i32 to index
      %swap3A_1182 = tpu.vector_load %arg13[%swap3A_1181] {strides = array<i32>} : memref<12288xf32, #tpu.memory_space<vmem>>, vector<16xf32>,
      tpu.vector_store %arg13[%swap3A_1181], %mul3A_1180 {add = true, strides = array<i32>} : memref<12288xf32, #tpu.memory_space<vmem>>, vector<16xf32>,
      %broadcast_in_dim3A_1183 = arith.constant 1 : i32
      %broadcast_in_dim3A_1184 = vector.broadcast %broadcast_in_dim3A_1183 : i32 to vector<16x1xi32>
      %gather3A_1185 = vector.shape_cast %broadcast_in_dim3A_1184 : vector<16x1xi32> to vector<16xi32>
      %gather3A_1186 = tpu.dynamic_gather %select_n3A_1159[%gather3A_1185] in [0] : vector<16xf32>, vector<16xi32> -> vector<16xf32>
      %add3A_1187 = arith.constant 16 : i32
      %add3A_1188 = arith.addi %mul3A_1168, %add3A_1187 : i32
      %mul3A_1189 = arith.mulf %gather3A_1186, %select_n3A_1159 : vector<16xf32>
      %swap3A_1190 = arith.index_cast %add3A_1188 : i32 to index
      %swap3A_1191 = tpu.vector_load %arg13[%swap3A_1190] {strides = array<i32>} : memref<12288xf32, #tpu.memory_space<vmem>>, vector<16xf32>,
      tpu.vector_store %arg13[%swap3A_1190], %mul3A_1189 {add = true, strides = array<i32>} : memref<12288xf32, #tpu.memory_space<vmem>>, vector<16xf32>,
      %add3A_1192 = arith.constant 256 : i32
      %add3A_1193 = arith.addi %mul3A_1168, %add3A_1192 : i32
      %mul3A_1194 = arith.mulf %gather3A_1186, %select_n3A_1166 : vector<16xf32>
      %swap3A_1195 = arith.index_cast %add3A_1193 : i32 to index
      %swap3A_1196 = tpu.vector_load %arg13[%swap3A_1195] {strides = array<i32>} : memref<12288xf32, #tpu.memory_space<vmem>>, vector<16xf32>,
      tpu.vector_store %arg13[%swap3A_1195], %mul3A_1194 {add = true, strides = array<i32>} : memref<12288xf32, #tpu.memory_space<vmem>>, vector<16xf32>,
      %broadcast_in_dim3A_1197 = arith.constant 2 : i32
      %broadcast_in_dim3A_1198 = vector.broadcast %broadcast_in_dim3A_1197 : i32 to vector<16x1xi32>
      %gather3A_1199 = vector.shape_cast %broadcast_in_dim3A_1198 : vector<16x1xi32> to vector<16xi32>
      %gather3A_1200 = tpu.dynamic_gather %select_n3A_1159[%gather3A_1199] in [0] : vector<16xf32>, vector<16xi32> -> vector<16xf32>
      %add3A_1201 = arith.constant 32 : i32
      %add3A_1202 = arith.addi %mul3A_1168, %add3A_1201 : i32
      %mul3A_1203 = arith.mulf %gather3A_1200, %select_n3A_1159 : vector<16xf32>
      %swap3A_1204 = arith.index_cast %add3A_1202 : i32 to index
      %swap3A_1205 = tpu.vector_load %arg13[%swap3A_1204] {strides = array<i32>} : memref<12288xf32, #tpu.memory_space<vmem>>, vector<16xf32>,
      tpu.vector_store %arg13[%swap3A_1204], %mul3A_1203 {add = true, strides = array<i32>} : memref<12288xf32, #tpu.memory_space<vmem>>, vector<16xf32>,
      %add3A_1206 = arith.constant 272 : i32
      %add3A_1207 = arith.addi %mul3A_1168, %add3A_1206 : i32
      %mul3A_1208 = arith.mulf %gather3A_1200, %select_n3A_1166 : vector<16xf32>
      %swap3A_1209 = arith.index_cast %add3A_1207 : i32 to index
      %swap3A_1210 = tpu.vector_load %arg13[%swap3A_1209] {strides = array<i32>} : memref<12288xf32, #tpu.memory_space<vmem>>, vector<16xf32>,
      tpu.vector_store %arg13[%swap3A_1209], %mul3A_1208 {add = true, strides = array<i32>} : memref<12288xf32, #tpu.memory_space<vmem>>, vector<16xf32>,
      %broadcast_in_dim3A_1211 = arith.constant 3 : i32
      %broadcast_in_dim3A_1212 = vector.broadcast %broadcast_in_dim3A_1211 : i32 to vector<16x1xi32>
      %gather3A_1213 = vector.shape_cast %broadcast_in_dim3A_1212 : vector<16x1xi32> to vector<16xi32>
      %gather3A_1214 = tpu.dynamic_gather %select_n3A_1159[%gather3A_1213] in [0] : vector<16xf32>, vector<16xi32> -> vector<16xf32>
      %add3A_1215 = arith.constant 48 : i32
      %add3A_1216 = arith.addi %mul3A_1168, %add3A_1215 : i32
      %mul3A_1217 = arith.mulf %gather3A_1214, %select_n3A_1159 : vector<16xf32>
      %swap3A_1218 = arith.index_cast %add3A_1216 : i32 to index
      %swap3A_1219 = tpu.vector_load %arg13[%swap3A_1218] {strides = array<i32>} : memref<12288xf32, #tpu.memory_space<vmem>>, vector<16xf32>,
      tpu.vector_store %arg13[%swap3A_1218], %mul3A_1217 {add = true, strides = array<i32>} : memref<12288xf32, #tpu.memory_space<vmem>>, vector<16xf32>,
      %add3A_1220 = arith.constant 288 : i32
      %add3A_1221 = arith.addi %mul3A_1168, %add3A_1220 : i32
      %mul3A_1222 = arith.mulf %gather3A_1214, %select_n3A_1166 : vector<16xf32>
      %swap3A_1223 = arith.index_cast %add3A_1221 : i32 to index
      %swap3A_1224 = tpu.vector_load %arg13[%swap3A_1223] {strides = array<i32>} : memref<12288xf32, #tpu.memory_space<vmem>>, vector<16xf32>,
      tpu.vector_store %arg13[%swap3A_1223], %mul3A_1222 {add = true, strides = array<i32>} : memref<12288xf32, #tpu.memory_space<vmem>>, vector<16xf32>,
      %broadcast_in_dim3A_1225 = arith.constant 4 : i32
      %broadcast_in_dim3A_1226 = vector.broadcast %broadcast_in_dim3A_1225 : i32 to vector<16x1xi32>
      %gather3A_1227 = vector.shape_cast %broadcast_in_dim3A_1226 : vector<16x1xi32> to vector<16xi32>
      %gather3A_1228 = tpu.dynamic_gather %select_n3A_1159[%gather3A_1227] in [0] : vector<16xf32>, vector<16xi32> -> vector<16xf32>
      %add3A_1229 = arith.constant 64 : i32
      %add3A_1230 = arith.addi %mul3A_1168, %add3A_1229 : i32
      %mul3A_1231 = arith.mulf %gather3A_1228, %select_n3A_1159 : vector<16xf32>
      %swap3A_1232 = arith.index_cast %add3A_1230 : i32 to index
      %swap3A_1233 = tpu.vector_load %arg13[%swap3A_1232] {strides = array<i32>} : memref<12288xf32, #tpu.memory_space<vmem>>, vector<16xf32>,
      tpu.vector_store %arg13[%swap3A_1232], %mul3A_1231 {add = true, strides = array<i32>} : memref<12288xf32, #tpu.memory_space<vmem>>, vector<16xf32>,
      %add3A_1234 = arith.constant 304 : i32
      %add3A_1235 = arith.addi %mul3A_1168, %add3A_1234 : i32
      %mul3A_1236 = arith.mulf %gather3A_1228, %select_n3A_1166 : vector<16xf32>
      %swap3A_1237 = arith.index_cast %add3A_1235 : i32 to index
      %swap3A_1238 = tpu.vector_load %arg13[%swap3A_1237] {strides = array<i32>} : memref<12288xf32, #tpu.memory_space<vmem>>, vector<16xf32>,
      tpu.vector_store %arg13[%swap3A_1237], %mul3A_1236 {add = true, strides = array<i32>} : memref<12288xf32, #tpu.memory_space<vmem>>, vector<16xf32>,
      %broadcast_in_dim3A_1239 = arith.constant 5 : i32
      %broadcast_in_dim3A_1240 = vector.broadcast %broadcast_in_dim3A_1239 : i32 to vector<16x1xi32>
      %gather3A_1241 = vector.shape_cast %broadcast_in_dim3A_1240 : vector<16x1xi32> to vector<16xi32>
      %gather3A_1242 = tpu.dynamic_gather %select_n3A_1159[%gather3A_1241] in [0] : vector<16xf32>, vector<16xi32> -> vector<16xf32>
      %add3A_1243 = arith.constant 80 : i32
      %add3A_1244 = arith.addi %mul3A_1168, %add3A_1243 : i32
      %mul3A_1245 = arith.mulf %gather3A_1242, %select_n3A_1159 : vector<16xf32>
      %swap3A_1246 = arith.index_cast %add3A_1244 : i32 to index
      %swap3A_1247 = tpu.vector_load %arg13[%swap3A_1246] {strides = array<i32>} : memref<12288xf32, #tpu.memory_space<vmem>>, vector<16xf32>,
      tpu.vector_store %arg13[%swap3A_1246], %mul3A_1245 {add = true, strides = array<i32>} : memref<12288xf32, #tpu.memory_space<vmem>>, vector<16xf32>,
      %add3A_1248 = arith.constant 320 : i32
      %add3A_1249 = arith.addi %mul3A_1168, %add3A_1248 : i32
      %mul3A_1250 = arith.mulf %gather3A_1242, %select_n3A_1166 : vector<16xf32>
      %swap3A_1251 = arith.index_cast %add3A_1249 : i32 to index
      %swap3A_1252 = tpu.vector_load %arg13[%swap3A_1251] {strides = array<i32>} : memref<12288xf32, #tpu.memory_space<vmem>>, vector<16xf32>,
      tpu.vector_store %arg13[%swap3A_1251], %mul3A_1250 {add = true, strides = array<i32>} : memref<12288xf32, #tpu.memory_space<vmem>>, vector<16xf32>,
      %broadcast_in_dim3A_1253 = arith.constant 6 : i32
      %broadcast_in_dim3A_1254 = vector.broadcast %broadcast_in_dim3A_1253 : i32 to vector<16x1xi32>
      %gather3A_1255 = vector.shape_cast %broadcast_in_dim3A_1254 : vector<16x1xi32> to vector<16xi32>
      %gather3A_1256 = tpu.dynamic_gather %select_n3A_1159[%gather3A_1255] in [0] : vector<16xf32>, vector<16xi32> -> vector<16xf32>
      %add3A_1257 = arith.constant 96 : i32
      %add3A_1258 = arith.addi %mul3A_1168, %add3A_1257 : i32
      %mul3A_1259 = arith.mulf %gather3A_1256, %select_n3A_1159 : vector<16xf32>
      %swap3A_1260 = arith.index_cast %add3A_1258 : i32 to index
      %swap3A_1261 = tpu.vector_load %arg13[%swap3A_1260] {strides = array<i32>} : memref<12288xf32, #tpu.memory_space<vmem>>, vector<16xf32>,
      tpu.vector_store %arg13[%swap3A_1260], %mul3A_1259 {add = true, strides = array<i32>} : memref<12288xf32, #tpu.memory_space<vmem>>, vector<16xf32>,
      %add3A_1262 = arith.constant 336 : i32
      %add3A_1263 = arith.addi %mul3A_1168, %add3A_1262 : i32
      %mul3A_1264 = arith.mulf %gather3A_1256, %select_n3A_1166 : vector<16xf32>
      %swap3A_1265 = arith.index_cast %add3A_1263 : i32 to index
      %swap3A_1266 = tpu.vector_load %arg13[%swap3A_1265] {strides = array<i32>} : memref<12288xf32, #tpu.memory_space<vmem>>, vector<16xf32>,
      tpu.vector_store %arg13[%swap3A_1265], %mul3A_1264 {add = true, strides = array<i32>} : memref<12288xf32, #tpu.memory_space<vmem>>, vector<16xf32>,
      %broadcast_in_dim3A_1267 = arith.constant 7 : i32
      %broadcast_in_dim3A_1268 = vector.broadcast %broadcast_in_dim3A_1267 : i32 to vector<16x1xi32>
      %gather3A_1269 = vector.shape_cast %broadcast_in_dim3A_1268 : vector<16x1xi32> to vector<16xi32>
      %gather3A_1270 = tpu.dynamic_gather %select_n3A_1159[%gather3A_1269] in [0] : vector<16xf32>, vector<16xi32> -> vector<16xf32>
      %add3A_1271 = arith.constant 112 : i32
      %add3A_1272 = arith.addi %mul3A_1168, %add3A_1271 : i32
      %mul3A_1273 = arith.mulf %gather3A_1270, %select_n3A_1159 : vector<16xf32>
      %swap3A_1274 = arith.index_cast %add3A_1272 : i32 to index
      %swap3A_1275 = tpu.vector_load %arg13[%swap3A_1274] {strides = array<i32>} : memref<12288xf32, #tpu.memory_space<vmem>>, vector<16xf32>,
      tpu.vector_store %arg13[%swap3A_1274], %mul3A_1273 {add = true, strides = array<i32>} : memref<12288xf32, #tpu.memory_space<vmem>>, vector<16xf32>,
      %add3A_1276 = arith.constant 352 : i32
      %add3A_1277 = arith.addi %mul3A_1168, %add3A_1276 : i32
      %mul3A_1278 = arith.mulf %gather3A_1270, %select_n3A_1166 : vector<16xf32>
      %swap3A_1279 = arith.index_cast %add3A_1277 : i32 to index
      %swap3A_1280 = tpu.vector_load %arg13[%swap3A_1279] {strides = array<i32>} : memref<12288xf32, #tpu.memory_space<vmem>>, vector<16xf32>,
      tpu.vector_store %arg13[%swap3A_1279], %mul3A_1278 {add = true, strides = array<i32>} : memref<12288xf32, #tpu.memory_space<vmem>>, vector<16xf32>,
      %broadcast_in_dim3A_1281 = arith.constant 8 : i32
      %broadcast_in_dim3A_1282 = vector.broadcast %broadcast_in_dim3A_1281 : i32 to vector<16x1xi32>
      %gather3A_1283 = vector.shape_cast %broadcast_in_dim3A_1282 : vector<16x1xi32> to vector<16xi32>
      %gather3A_1284 = tpu.dynamic_gather %select_n3A_1159[%gather3A_1283] in [0] : vector<16xf32>, vector<16xi32> -> vector<16xf32>
      %add3A_1285 = arith.constant 128 : i32
      %add3A_1286 = arith.addi %mul3A_1168, %add3A_1285 : i32
      %mul3A_1287 = arith.mulf %gather3A_1284, %select_n3A_1159 : vector<16xf32>
      %swap3A_1288 = arith.index_cast %add3A_1286 : i32 to index
      %swap3A_1289 = tpu.vector_load %arg13[%swap3A_1288] {strides = array<i32>} : memref<12288xf32, #tpu.memory_space<vmem>>, vector<16xf32>,
      tpu.vector_store %arg13[%swap3A_1288], %mul3A_1287 {add = true, strides = array<i32>} : memref<12288xf32, #tpu.memory_space<vmem>>, vector<16xf32>,
      %add3A_1290 = arith.constant 368 : i32
      %add3A_1291 = arith.addi %mul3A_1168, %add3A_1290 : i32
      %mul3A_1292 = arith.mulf %gather3A_1284, %select_n3A_1166 : vector<16xf32>
      %swap3A_1293 = arith.index_cast %add3A_1291 : i32 to index
      %swap3A_1294 = tpu.vector_load %arg13[%swap3A_1293] {strides = array<i32>} : memref<12288xf32, #tpu.memory_space<vmem>>, vector<16xf32>,
      tpu.vector_store %arg13[%swap3A_1293], %mul3A_1292 {add = true, strides = array<i32>} : memref<12288xf32, #tpu.memory_space<vmem>>, vector<16xf32>,
      %broadcast_in_dim3A_1295 = arith.constant 9 : i32
      %broadcast_in_dim3A_1296 = vector.broadcast %broadcast_in_dim3A_1295 : i32 to vector<16x1xi32>
      %gather3A_1297 = vector.shape_cast %broadcast_in_dim3A_1296 : vector<16x1xi32> to vector<16xi32>
      %gather3A_1298 = tpu.dynamic_gather %select_n3A_1159[%gather3A_1297] in [0] : vector<16xf32>, vector<16xi32> -> vector<16xf32>
      %add3A_1299 = arith.constant 144 : i32
      %add3A_1300 = arith.addi %mul3A_1168, %add3A_1299 : i32
      %mul3A_1301 = arith.mulf %gather3A_1298, %select_n3A_1159 : vector<16xf32>
      %swap3A_1302 = arith.index_cast %add3A_1300 : i32 to index
      %swap3A_1303 = tpu.vector_load %arg13[%swap3A_1302] {strides = array<i32>} : memref<12288xf32, #tpu.memory_space<vmem>>, vector<16xf32>,
      tpu.vector_store %arg13[%swap3A_1302], %mul3A_1301 {add = true, strides = array<i32>} : memref<12288xf32, #tpu.memory_space<vmem>>, vector<16xf32>,
      %add3A_1304 = arith.constant 384 : i32
      %add3A_1305 = arith.addi %mul3A_1168, %add3A_1304 : i32
      %mul3A_1306 = arith.mulf %gather3A_1298, %select_n3A_1166 : vector<16xf32>
      %swap3A_1307 = arith.index_cast %add3A_1305 : i32 to index
      %swap3A_1308 = tpu.vector_load %arg13[%swap3A_1307] {strides = array<i32>} : memref<12288xf32, #tpu.memory_space<vmem>>, vector<16xf32>,
      tpu.vector_store %arg13[%swap3A_1307], %mul3A_1306 {add = true, strides = array<i32>} : memref<12288xf32, #tpu.memory_space<vmem>>, vector<16xf32>,
      %broadcast_in_dim3A_1309 = arith.constant 10 : i32
      %broadcast_in_dim3A_1310 = vector.broadcast %broadcast_in_dim3A_1309 : i32 to vector<16x1xi32>
      %gather3A_1311 = vector.shape_cast %broadcast_in_dim3A_1310 : vector<16x1xi32> to vector<16xi32>
      %gather3A_1312 = tpu.dynamic_gather %select_n3A_1159[%gather3A_1311] in [0] : vector<16xf32>, vector<16xi32> -> vector<16xf32>
      %add3A_1313 = arith.constant 160 : i32
      %add3A_1314 = arith.addi %mul3A_1168, %add3A_1313 : i32
      %mul3A_1315 = arith.mulf %gather3A_1312, %select_n3A_1159 : vector<16xf32>
      %swap3A_1316 = arith.index_cast %add3A_1314 : i32 to index
      %swap3A_1317 = tpu.vector_load %arg13[%swap3A_1316] {strides = array<i32>} : memref<12288xf32, #tpu.memory_space<vmem>>, vector<16xf32>,
      tpu.vector_store %arg13[%swap3A_1316], %mul3A_1315 {add = true, strides = array<i32>} : memref<12288xf32, #tpu.memory_space<vmem>>, vector<16xf32>,
      %add3A_1318 = arith.constant 400 : i32
      %add3A_1319 = arith.addi %mul3A_1168, %add3A_1318 : i32
      %mul3A_1320 = arith.mulf %gather3A_1312, %select_n3A_1166 : vector<16xf32>
      %swap3A_1321 = arith.index_cast %add3A_1319 : i32 to index
      %swap3A_1322 = tpu.vector_load %arg13[%swap3A_1321] {strides = array<i32>} : memref<12288xf32, #tpu.memory_space<vmem>>, vector<16xf32>,
      tpu.vector_store %arg13[%swap3A_1321], %mul3A_1320 {add = true, strides = array<i32>} : memref<12288xf32, #tpu.memory_space<vmem>>, vector<16xf32>,
      %broadcast_in_dim3A_1323 = arith.constant 11 : i32
      %broadcast_in_dim3A_1324 = vector.broadcast %broadcast_in_dim3A_1323 : i32 to vector<16x1xi32>
      %gather3A_1325 = vector.shape_cast %broadcast_in_dim3A_1324 : vector<16x1xi32> to vector<16xi32>
      %gather3A_1326 = tpu.dynamic_gather %select_n3A_1159[%gather3A_1325] in [0] : vector<16xf32>, vector<16xi32> -> vector<16xf32>
      %add3A_1327 = arith.constant 176 : i32
      %add3A_1328 = arith.addi %mul3A_1168, %add3A_1327 : i32
      %mul3A_1329 = arith.mulf %gather3A_1326, %select_n3A_1159 : vector<16xf32>
      %swap3A_1330 = arith.index_cast %add3A_1328 : i32 to index
      %swap3A_1331 = tpu.vector_load %arg13[%swap3A_1330] {strides = array<i32>} : memref<12288xf32, #tpu.memory_space<vmem>>, vector<16xf32>,
      tpu.vector_store %arg13[%swap3A_1330], %mul3A_1329 {add = true, strides = array<i32>} : memref<12288xf32, #tpu.memory_space<vmem>>, vector<16xf32>,
      %add3A_1332 = arith.constant 416 : i32
      %add3A_1333 = arith.addi %mul3A_1168, %add3A_1332 : i32
      %mul3A_1334 = arith.mulf %gather3A_1326, %select_n3A_1166 : vector<16xf32>
      %swap3A_1335 = arith.index_cast %add3A_1333 : i32 to index
      %swap3A_1336 = tpu.vector_load %arg13[%swap3A_1335] {strides = array<i32>} : memref<12288xf32, #tpu.memory_space<vmem>>, vector<16xf32>,
      tpu.vector_store %arg13[%swap3A_1335], %mul3A_1334 {add = true, strides = array<i32>} : memref<12288xf32, #tpu.memory_space<vmem>>, vector<16xf32>,
      %broadcast_in_dim3A_1337 = arith.constant 12 : i32
      %broadcast_in_dim3A_1338 = vector.broadcast %broadcast_in_dim3A_1337 : i32 to vector<16x1xi32>
      %gather3A_1339 = vector.shape_cast %broadcast_in_dim3A_1338 : vector<16x1xi32> to vector<16xi32>
      %gather3A_1340 = tpu.dynamic_gather %select_n3A_1159[%gather3A_1339] in [0] : vector<16xf32>, vector<16xi32> -> vector<16xf32>
      %add3A_1341 = arith.constant 192 : i32
      %add3A_1342 = arith.addi %mul3A_1168, %add3A_1341 : i32
      %mul3A_1343 = arith.mulf %gather3A_1340, %select_n3A_1159 : vector<16xf32>
      %swap3A_1344 = arith.index_cast %add3A_1342 : i32 to index
      %swap3A_1345 = tpu.vector_load %arg13[%swap3A_1344] {strides = array<i32>} : memref<12288xf32, #tpu.memory_space<vmem>>, vector<16xf32>,
      tpu.vector_store %arg13[%swap3A_1344], %mul3A_1343 {add = true, strides = array<i32>} : memref<12288xf32, #tpu.memory_space<vmem>>, vector<16xf32>,
      %add3A_1346 = arith.constant 432 : i32
      %add3A_1347 = arith.addi %mul3A_1168, %add3A_1346 : i32
      %mul3A_1348 = arith.mulf %gather3A_1340, %select_n3A_1166 : vector<16xf32>
      %swap3A_1349 = arith.index_cast %add3A_1347 : i32 to index
      %swap3A_1350 = tpu.vector_load %arg13[%swap3A_1349] {strides = array<i32>} : memref<12288xf32, #tpu.memory_space<vmem>>, vector<16xf32>,
      tpu.vector_store %arg13[%swap3A_1349], %mul3A_1348 {add = true, strides = array<i32>} : memref<12288xf32, #tpu.memory_space<vmem>>, vector<16xf32>,
      %broadcast_in_dim3A_1351 = arith.constant 13 : i32
      %broadcast_in_dim3A_1352 = vector.broadcast %broadcast_in_dim3A_1351 : i32 to vector<16x1xi32>
      %gather3A_1353 = vector.shape_cast %broadcast_in_dim3A_1352 : vector<16x1xi32> to vector<16xi32>
      %gather3A_1354 = tpu.dynamic_gather %select_n3A_1159[%gather3A_1353] in [0] : vector<16xf32>, vector<16xi32> -> vector<16xf32>
      %add3A_1355 = arith.constant 208 : i32
      %add3A_1356 = arith.addi %mul3A_1168, %add3A_1355 : i32
      %mul3A_1357 = arith.mulf %gather3A_1354, %select_n3A_1159 : vector<16xf32>
      %swap3A_1358 = arith.index_cast %add3A_1356 : i32 to index
      %swap3A_1359 = tpu.vector_load %arg13[%swap3A_1358] {strides = array<i32>} : memref<12288xf32, #tpu.memory_space<vmem>>, vector<16xf32>,
      tpu.vector_store %arg13[%swap3A_1358], %mul3A_1357 {add = true, strides = array<i32>} : memref<12288xf32, #tpu.memory_space<vmem>>, vector<16xf32>,
      %add3A_1360 = arith.constant 448 : i32
      %add3A_1361 = arith.addi %mul3A_1168, %add3A_1360 : i32
      %mul3A_1362 = arith.mulf %gather3A_1354, %select_n3A_1166 : vector<16xf32>
      %swap3A_1363 = arith.index_cast %add3A_1361 : i32 to index
      %swap3A_1364 = tpu.vector_load %arg13[%swap3A_1363] {strides = array<i32>} : memref<12288xf32, #tpu.memory_space<vmem>>, vector<16xf32>,
      tpu.vector_store %arg13[%swap3A_1363], %mul3A_1362 {add = true, strides = array<i32>} : memref<12288xf32, #tpu.memory_space<vmem>>, vector<16xf32>,
      %broadcast_in_dim3A_1365 = arith.constant 14 : i32
      %broadcast_in_dim3A_1366 = vector.broadcast %broadcast_in_dim3A_1365 : i32 to vector<16x1xi32>
      %gather3A_1367 = vector.shape_cast %broadcast_in_dim3A_1366 : vector<16x1xi32> to vector<16xi32>
      %gather3A_1368 = tpu.dynamic_gather %select_n3A_1159[%gather3A_1367] in [0] : vector<16xf32>, vector<16xi32> -> vector<16xf32>
      %add3A_1369 = arith.constant 224 : i32
      %add3A_1370 = arith.addi %mul3A_1168, %add3A_1369 : i32
      %mul3A_1371 = arith.mulf %gather3A_1368, %select_n3A_1159 : vector<16xf32>
      %swap3A_1372 = arith.index_cast %add3A_1370 : i32 to index
      %swap3A_1373 = tpu.vector_load %arg13[%swap3A_1372] {strides = array<i32>} : memref<12288xf32, #tpu.memory_space<vmem>>, vector<16xf32>,
      tpu.vector_store %arg13[%swap3A_1372], %mul3A_1371 {add = true, strides = array<i32>} : memref<12288xf32, #tpu.memory_space<vmem>>, vector<16xf32>,
      %add3A_1374 = arith.constant 464 : i32
      %add3A_1375 = arith.addi %mul3A_1168, %add3A_1374 : i32
      %mul3A_1376 = arith.mulf %gather3A_1368, %select_n3A_1166 : vector<16xf32>
      %swap3A_1377 = arith.index_cast %add3A_1375 : i32 to index
      %swap3A_1378 = tpu.vector_load %arg13[%swap3A_1377] {strides = array<i32>} : memref<12288xf32, #tpu.memory_space<vmem>>, vector<16xf32>,
      tpu.vector_store %arg13[%swap3A_1377], %mul3A_1376 {add = true, strides = array<i32>} : memref<12288xf32, #tpu.memory_space<vmem>>, vector<16xf32>,
      %broadcast_in_dim3A_1379 = arith.constant 0 : i32
      %broadcast_in_dim3A_1380 = vector.broadcast %broadcast_in_dim3A_1379 : i32 to vector<16x1xi32>
      %gather3A_1381 = vector.shape_cast %broadcast_in_dim3A_1380 : vector<16x1xi32> to vector<16xi32>
      %gather3A_1382 = tpu.dynamic_gather %select_n3A_1166[%gather3A_1381] in [0] : vector<16xf32>, vector<16xi32> -> vector<16xf32>
      %add3A_1383 = arith.constant 480 : i32
      %add3A_1384 = arith.addi %mul3A_1168, %add3A_1383 : i32
      %mul3A_1385 = arith.mulf %gather3A_1382, %select_n3A_1166 : vector<16xf32>
      %swap3A_1386 = arith.index_cast %add3A_1384 : i32 to index
      %swap3A_1387 = tpu.vector_load %arg13[%swap3A_1386] {strides = array<i32>} : memref<12288xf32, #tpu.memory_space<vmem>>, vector<16xf32>,
      tpu.vector_store %arg13[%swap3A_1386], %mul3A_1385 {add = true, strides = array<i32>} : memref<12288xf32, #tpu.memory_space<vmem>>, vector<16xf32>,
      %broadcast_in_dim3A_1388 = arith.constant 1 : i32
      %broadcast_in_dim3A_1389 = vector.broadcast %broadcast_in_dim3A_1388 : i32 to vector<16x1xi32>
      %gather3A_1390 = vector.shape_cast %broadcast_in_dim3A_1389 : vector<16x1xi32> to vector<16xi32>
      %gather3A_1391 = tpu.dynamic_gather %select_n3A_1166[%gather3A_1390] in [0] : vector<16xf32>, vector<16xi32> -> vector<16xf32>
      %add3A_1392 = arith.constant 496 : i32
      %add3A_1393 = arith.addi %mul3A_1168, %add3A_1392 : i32
      %mul3A_1394 = arith.mulf %gather3A_1391, %select_n3A_1166 : vector<16xf32>
      %swap3A_1395 = arith.index_cast %add3A_1393 : i32 to index
      %swap3A_1396 = tpu.vector_load %arg13[%swap3A_1395] {strides = array<i32>} : memref<12288xf32, #tpu.memory_space<vmem>>, vector<16xf32>,
      tpu.vector_store %arg13[%swap3A_1395], %mul3A_1394 {add = true, strides = array<i32>} : memref<12288xf32, #tpu.memory_space<vmem>>, vector<16xf32>,
      %broadcast_in_dim3A_1397 = arith.constant 2 : i32
      %broadcast_in_dim3A_1398 = vector.broadcast %broadcast_in_dim3A_1397 : i32 to vector<16x1xi32>
      %gather3A_1399 = vector.shape_cast %broadcast_in_dim3A_1398 : vector<16x1xi32> to vector<16xi32>
      %gather3A_1400 = tpu.dynamic_gather %select_n3A_1166[%gather3A_1399] in [0] : vector<16xf32>, vector<16xi32> -> vector<16xf32>
      %add3A_1401 = arith.constant 512 : i32
      %add3A_1402 = arith.addi %mul3A_1168, %add3A_1401 : i32
      %mul3A_1403 = arith.mulf %gather3A_1400, %select_n3A_1166 : vector<16xf32>
      %swap3A_1404 = arith.index_cast %add3A_1402 : i32 to index
      %swap3A_1405 = tpu.vector_load %arg13[%swap3A_1404] {strides = array<i32>} : memref<12288xf32, #tpu.memory_space<vmem>>, vector<16xf32>,
      tpu.vector_store %arg13[%swap3A_1404], %mul3A_1403 {add = true, strides = array<i32>} : memref<12288xf32, #tpu.memory_space<vmem>>, vector<16xf32>,
      %broadcast_in_dim3A_1406 = arith.constant 3 : i32
      %broadcast_in_dim3A_1407 = vector.broadcast %broadcast_in_dim3A_1406 : i32 to vector<16x1xi32>
      %gather3A_1408 = vector.shape_cast %broadcast_in_dim3A_1407 : vector<16x1xi32> to vector<16xi32>
      %gather3A_1409 = tpu.dynamic_gather %select_n3A_1166[%gather3A_1408] in [0] : vector<16xf32>, vector<16xi32> -> vector<16xf32>
      %add3A_1410 = arith.constant 528 : i32
      %add3A_1411 = arith.addi %mul3A_1168, %add3A_1410 : i32
      %mul3A_1412 = arith.mulf %gather3A_1409, %select_n3A_1166 : vector<16xf32>
      %swap3A_1413 = arith.index_cast %add3A_1411 : i32 to index
      %swap3A_1414 = tpu.vector_load %arg13[%swap3A_1413] {strides = array<i32>} : memref<12288xf32, #tpu.memory_space<vmem>>, vector<16xf32>,
      tpu.vector_store %arg13[%swap3A_1413], %mul3A_1412 {add = true, strides = array<i32>} : memref<12288xf32, #tpu.memory_space<vmem>>, vector<16xf32>,
      %broadcast_in_dim3A_1415 = arith.constant 4 : i32
      %broadcast_in_dim3A_1416 = vector.broadcast %broadcast_in_dim3A_1415 : i32 to vector<16x1xi32>
      %gather3A_1417 = vector.shape_cast %broadcast_in_dim3A_1416 : vector<16x1xi32> to vector<16xi32>
      %gather3A_1418 = tpu.dynamic_gather %select_n3A_1166[%gather3A_1417] in [0] : vector<16xf32>, vector<16xi32> -> vector<16xf32>
      %add3A_1419 = arith.constant 544 : i32
      %add3A_1420 = arith.addi %mul3A_1168, %add3A_1419 : i32
      %mul3A_1421 = arith.mulf %gather3A_1418, %select_n3A_1166 : vector<16xf32>
      %swap3A_1422 = arith.index_cast %add3A_1420 : i32 to index
      %swap3A_1423 = tpu.vector_load %arg13[%swap3A_1422] {strides = array<i32>} : memref<12288xf32, #tpu.memory_space<vmem>>, vector<16xf32>,
      tpu.vector_store %arg13[%swap3A_1422], %mul3A_1421 {add = true, strides = array<i32>} : memref<12288xf32, #tpu.memory_space<vmem>>, vector<16xf32>,
      %broadcast_in_dim3A_1424 = arith.constant 5 : i32
      %broadcast_in_dim3A_1425 = vector.broadcast %broadcast_in_dim3A_1424 : i32 to vector<16x1xi32>
      %gather3A_1426 = vector.shape_cast %broadcast_in_dim3A_1425 : vector<16x1xi32> to vector<16xi32>
      %gather3A_1427 = tpu.dynamic_gather %select_n3A_1166[%gather3A_1426] in [0] : vector<16xf32>, vector<16xi32> -> vector<16xf32>
      %add3A_1428 = arith.constant 560 : i32
      %add3A_1429 = arith.addi %mul3A_1168, %add3A_1428 : i32
      %mul3A_1430 = arith.mulf %gather3A_1427, %select_n3A_1166 : vector<16xf32>
      %swap3A_1431 = arith.index_cast %add3A_1429 : i32 to index
      %swap3A_1432 = tpu.vector_load %arg13[%swap3A_1431] {strides = array<i32>} : memref<12288xf32, #tpu.memory_space<vmem>>, vector<16xf32>,
      tpu.vector_store %arg13[%swap3A_1431], %mul3A_1430 {add = true, strides = array<i32>} : memref<12288xf32, #tpu.memory_space<vmem>>, vector<16xf32>,
      %broadcast_in_dim3A_1433 = arith.constant 6 : i32
      %broadcast_in_dim3A_1434 = vector.broadcast %broadcast_in_dim3A_1433 : i32 to vector<16x1xi32>
      %gather3A_1435 = vector.shape_cast %broadcast_in_dim3A_1434 : vector<16x1xi32> to vector<16xi32>
      %gather3A_1436 = tpu.dynamic_gather %select_n3A_1166[%gather3A_1435] in [0] : vector<16xf32>, vector<16xi32> -> vector<16xf32>
      %add3A_1437 = arith.constant 576 : i32
      %add3A_1438 = arith.addi %mul3A_1168, %add3A_1437 : i32
      %mul3A_1439 = arith.mulf %gather3A_1436, %select_n3A_1166 : vector<16xf32>
      %swap3A_1440 = arith.index_cast %add3A_1438 : i32 to index
      %swap3A_1441 = tpu.vector_load %arg13[%swap3A_1440] {strides = array<i32>} : memref<12288xf32, #tpu.memory_space<vmem>>, vector<16xf32>,
      tpu.vector_store %arg13[%swap3A_1440], %mul3A_1439 {add = true, strides = array<i32>} : memref<12288xf32, #tpu.memory_space<vmem>>, vector<16xf32>,
      %broadcast_in_dim3A_1442 = arith.constant 7 : i32
      %broadcast_in_dim3A_1443 = vector.broadcast %broadcast_in_dim3A_1442 : i32 to vector<16x1xi32>
      %gather3A_1444 = vector.shape_cast %broadcast_in_dim3A_1443 : vector<16x1xi32> to vector<16xi32>
      %gather3A_1445 = tpu.dynamic_gather %select_n3A_1166[%gather3A_1444] in [0] : vector<16xf32>, vector<16xi32> -> vector<16xf32>
      %add3A_1446 = arith.constant 592 : i32
      %add3A_1447 = arith.addi %mul3A_1168, %add3A_1446 : i32
      %mul3A_1448 = arith.mulf %gather3A_1445, %select_n3A_1166 : vector<16xf32>
      %swap3A_1449 = arith.index_cast %add3A_1447 : i32 to index
      %swap3A_1450 = tpu.vector_load %arg13[%swap3A_1449] {strides = array<i32>} : memref<12288xf32, #tpu.memory_space<vmem>>, vector<16xf32>,
      tpu.vector_store %arg13[%swap3A_1449], %mul3A_1448 {add = true, strides = array<i32>} : memref<12288xf32, #tpu.memory_space<vmem>>, vector<16xf32>,
      %broadcast_in_dim3A_1451 = arith.constant 8 : i32
      %broadcast_in_dim3A_1452 = vector.broadcast %broadcast_in_dim3A_1451 : i32 to vector<16x1xi32>
      %gather3A_1453 = vector.shape_cast %broadcast_in_dim3A_1452 : vector<16x1xi32> to vector<16xi32>
      %gather3A_1454 = tpu.dynamic_gather %select_n3A_1166[%gather3A_1453] in [0] : vector<16xf32>, vector<16xi32> -> vector<16xf32>
      %add3A_1455 = arith.constant 608 : i32
      %add3A_1456 = arith.addi %mul3A_1168, %add3A_1455 : i32
      %mul3A_1457 = arith.mulf %gather3A_1454, %select_n3A_1166 : vector<16xf32>
      %swap3A_1458 = arith.index_cast %add3A_1456 : i32 to index
      %swap3A_1459 = tpu.vector_load %arg13[%swap3A_1458] {strides = array<i32>} : memref<12288xf32, #tpu.memory_space<vmem>>, vector<16xf32>,
      tpu.vector_store %arg13[%swap3A_1458], %mul3A_1457 {add = true, strides = array<i32>} : memref<12288xf32, #tpu.memory_space<vmem>>, vector<16xf32>,
      %broadcast_in_dim3A_1460 = arith.constant 9 : i32
      %broadcast_in_dim3A_1461 = vector.broadcast %broadcast_in_dim3A_1460 : i32 to vector<16x1xi32>
      %gather3A_1462 = vector.shape_cast %broadcast_in_dim3A_1461 : vector<16x1xi32> to vector<16xi32>
      %gather3A_1463 = tpu.dynamic_gather %select_n3A_1166[%gather3A_1462] in [0] : vector<16xf32>, vector<16xi32> -> vector<16xf32>
      %add3A_1464 = arith.constant 624 : i32
      %add3A_1465 = arith.addi %mul3A_1168, %add3A_1464 : i32
      %mul3A_1466 = arith.mulf %gather3A_1463, %select_n3A_1166 : vector<16xf32>
      %swap3A_1467 = arith.index_cast %add3A_1465 : i32 to index
      %swap3A_1468 = tpu.vector_load %arg13[%swap3A_1467] {strides = array<i32>} : memref<12288xf32, #tpu.memory_space<vmem>>, vector<16xf32>,
      tpu.vector_store %arg13[%swap3A_1467], %mul3A_1466 {add = true, strides = array<i32>} : memref<12288xf32, #tpu.memory_space<vmem>>, vector<16xf32>,
      %broadcast_in_dim3A_1469 = arith.constant 10 : i32
      %broadcast_in_dim3A_1470 = vector.broadcast %broadcast_in_dim3A_1469 : i32 to vector<16x1xi32>
      %gather3A_1471 = vector.shape_cast %broadcast_in_dim3A_1470 : vector<16x1xi32> to vector<16xi32>
      %gather3A_1472 = tpu.dynamic_gather %select_n3A_1166[%gather3A_1471] in [0] : vector<16xf32>, vector<16xi32> -> vector<16xf32>
      %add3A_1473 = arith.constant 640 : i32
      %add3A_1474 = arith.addi %mul3A_1168, %add3A_1473 : i32
      %mul3A_1475 = arith.mulf %gather3A_1472, %select_n3A_1166 : vector<16xf32>
      %swap3A_1476 = arith.index_cast %add3A_1474 : i32 to index
      %swap3A_1477 = tpu.vector_load %arg13[%swap3A_1476] {strides = array<i32>} : memref<12288xf32, #tpu.memory_space<vmem>>, vector<16xf32>,
      tpu.vector_store %arg13[%swap3A_1476], %mul3A_1475 {add = true, strides = array<i32>} : memref<12288xf32, #tpu.memory_space<vmem>>, vector<16xf32>,
      %broadcast_in_dim3A_1478 = arith.constant 11 : i32
      %broadcast_in_dim3A_1479 = vector.broadcast %broadcast_in_dim3A_1478 : i32 to vector<16x1xi32>
      %gather3A_1480 = vector.shape_cast %broadcast_in_dim3A_1479 : vector<16x1xi32> to vector<16xi32>
      %gather3A_1481 = tpu.dynamic_gather %select_n3A_1166[%gather3A_1480] in [0] : vector<16xf32>, vector<16xi32> -> vector<16xf32>
      %add3A_1482 = arith.constant 656 : i32
      %add3A_1483 = arith.addi %mul3A_1168, %add3A_1482 : i32
      %mul3A_1484 = arith.mulf %gather3A_1481, %select_n3A_1166 : vector<16xf32>
      %swap3A_1485 = arith.index_cast %add3A_1483 : i32 to index
      %swap3A_1486 = tpu.vector_load %arg13[%swap3A_1485] {strides = array<i32>} : memref<12288xf32, #tpu.memory_space<vmem>>, vector<16xf32>,
      tpu.vector_store %arg13[%swap3A_1485], %mul3A_1484 {add = true, strides = array<i32>} : memref<12288xf32, #tpu.memory_space<vmem>>, vector<16xf32>,
      %broadcast_in_dim3A_1487 = arith.constant 12 : i32
      %broadcast_in_dim3A_1488 = vector.broadcast %broadcast_in_dim3A_1487 : i32 to vector<16x1xi32>
      %gather3A_1489 = vector.shape_cast %broadcast_in_dim3A_1488 : vector<16x1xi32> to vector<16xi32>
      %gather3A_1490 = tpu.dynamic_gather %select_n3A_1166[%gather3A_1489] in [0] : vector<16xf32>, vector<16xi32> -> vector<16xf32>
      %add3A_1491 = arith.constant 672 : i32
      %add3A_1492 = arith.addi %mul3A_1168, %add3A_1491 : i32
      %mul3A_1493 = arith.mulf %gather3A_1490, %select_n3A_1166 : vector<16xf32>
      %swap3A_1494 = arith.index_cast %add3A_1492 : i32 to index
      %swap3A_1495 = tpu.vector_load %arg13[%swap3A_1494] {strides = array<i32>} : memref<12288xf32, #tpu.memory_space<vmem>>, vector<16xf32>,
      tpu.vector_store %arg13[%swap3A_1494], %mul3A_1493 {add = true, strides = array<i32>} : memref<12288xf32, #tpu.memory_space<vmem>>, vector<16xf32>,
      %broadcast_in_dim3A_1496 = arith.constant 13 : i32
      %broadcast_in_dim3A_1497 = vector.broadcast %broadcast_in_dim3A_1496 : i32 to vector<16x1xi32>
      %gather3A_1498 = vector.shape_cast %broadcast_in_dim3A_1497 : vector<16x1xi32> to vector<16xi32>
      %gather3A_1499 = tpu.dynamic_gather %select_n3A_1166[%gather3A_1498] in [0] : vector<16xf32>, vector<16xi32> -> vector<16xf32>
      %add3A_1500 = arith.constant 688 : i32
      %add3A_1501 = arith.addi %mul3A_1168, %add3A_1500 : i32
      %mul3A_1502 = arith.mulf %gather3A_1499, %select_n3A_1166 : vector<16xf32>
      %swap3A_1503 = arith.index_cast %add3A_1501 : i32 to index
      %swap3A_1504 = tpu.vector_load %arg13[%swap3A_1503] {strides = array<i32>} : memref<12288xf32, #tpu.memory_space<vmem>>, vector<16xf32>,
      tpu.vector_store %arg13[%swap3A_1503], %mul3A_1502 {add = true, strides = array<i32>} : memref<12288xf32, #tpu.memory_space<vmem>>, vector<16xf32>,
      %scan3A_1505 = arith.constant 0 : i32
      scf.yield %scan3A_1505 : i32
    }
    %scan3A_73 = arith.constant 256 : i32
    %scan3A_74 = arith.constant 0 : i32
    %scan3A_75 = arith.constant 768 : i32
    %scan3A_76 = arith.addi %scan3A_74, %scan3A_75 : i32
    %scan3A_77 = arith.constant 1 : i32
    %scan3A_78 = scf.for %scan3A_81 = %scan3A_74 to %scan3A_76 step %scan3A_77 iter_args(%scan3A_82 = %broadcast_in_dim3A_30) -> (vector<16xf32>)  : i32 {
      %mul3A_83 = arith.constant 16 : i32
      %mul3A_84 = arith.muli %scan3A_81, %mul3A_83 : i32
      %get3A = arith.index_cast %mul3A_84 : i32 to index
      %get3A_85 = tpu.vector_load %arg13[%get3A] {strides = array<i32>} : memref<12288xf32, #tpu.memory_space<vmem>>, vector<16xf32>,
      %mul3A_86 = arith.constant 16 : i32
      %mul3A_87 = arith.muli %scan3A_81, %mul3A_86 : i32
      %get3A_88 = arith.index_cast %mul3A_87 : i32 to index
      %get3A_89 = tpu.vector_load %arg12[%get3A_88] {strides = array<i32>} : memref<12288xf32, #tpu.memory_space<vmem>>, vector<16xf32>,
      %mul3A_90 = arith.mulf %get3A_85, %get3A_89 : vector<16xf32>
      %add3A_91 = arith.addf %scan3A_82, %mul3A_90 : vector<16xf32>
      scf.yield %add3A_91 : vector<16xf32>
    }
    %scan3A_79 = arith.constant 768 : i32
    %swap3A = arith.constant 0 : index
    %swap3A_80 = tpu.vector_load %arg14[%swap3A] {strides = array<i32>} : memref<16xf32, #tpu.memory_space<vmem>>, vector<16xf32>,
    tpu.vector_store %arg14[%swap3A], %scan3A_78 {strides = array<i32>} : memref<16xf32, #tpu.memory_space<vmem>>, vector<16xf32>,
    "tpu.region"() ({
      %run_scoped3A = tpu.sem_alloc : memref<!tpu.dma_semaphore, #tpu.memory_space<semaphore_mem>>
      %dma_start3A_81 = arith.constant 0 : i32
      %dma_start3A_82 = tpu.memref_slice %arg7[%add3A, %dma_start3A_81] : memref<32x16xf32, #tpu.memory_space<hbm>> -> memref<1x16xf32, #tpu.memory_space<hbm>>
      %dma_start3A_83 = tpu.memref_squeeze %dma_start3A_82 : memref<1x16xf32, #tpu.memory_space<hbm>> -> memref<16xf32, #tpu.memory_space<hbm>>
      %dma_start3A_84 = arith.constant 0 : i32
      %dma_start3A_85 = tpu.memref_slice %arg7[%add3A, %dma_start3A_84] : memref<32x16xf32, #tpu.memory_space<hbm>> -> memref<1x16xf32, #tpu.memory_space<hbm>>
      %dma_start3A_86 = tpu.memref_squeeze %dma_start3A_85 : memref<1x16xf32, #tpu.memory_space<hbm>> -> memref<16xf32, #tpu.memory_space<hbm>>
      tpu.enqueue_dma source(%arg14 : memref<16xf32, #tpu.memory_space<vmem>>) target(%dma_start3A_86 : memref<16xf32, #tpu.memory_space<hbm>>) target_semaphore(%run_scoped3A : memref<!tpu.dma_semaphore, #tpu.memory_space<semaphore_mem>>)
      %dma_wait3A_87 = arith.constant 0 : i32
      %dma_wait3A_88 = tpu.memref_slice %arg7[%add3A, %dma_wait3A_87] : memref<32x16xf32, #tpu.memory_space<hbm>> -> memref<1x16xf32, #tpu.memory_space<hbm>>
      %dma_wait3A_89 = tpu.memref_squeeze %dma_wait3A_88 : memref<1x16xf32, #tpu.memory_space<hbm>> -> memref<16xf32, #tpu.memory_space<hbm>>
      %dma_wait3A_90 = arith.constant 0 : i32
      %dma_wait3A_91 = tpu.memref_slice %arg7[%add3A, %dma_wait3A_90] : memref<32x16xf32, #tpu.memory_space<hbm>> -> memref<1x16xf32, #tpu.memory_space<hbm>>
      %dma_wait3A_92 = tpu.memref_squeeze %dma_wait3A_91 : memref<1x16xf32, #tpu.memory_space<hbm>> -> memref<16xf32, #tpu.memory_space<hbm>>
      tpu.wait_dma2 semaphore(%run_scoped3A : memref<!tpu.dma_semaphore, #tpu.memory_space<semaphore_mem>>) src(%arg14 : memref<16xf32, #tpu.memory_space<vmem>>) dst(%dma_wait3A_92 : memref<16xf32, #tpu.memory_space<hbm>>)
      tpu.yield
    }) : () -> ()
    return
  }
}

</mosaic_0001>

<sc_bundles>
// kernel: kernel.3.cloned.1.call-start
scs
__scs_entry_jumppad:
0x0: {  	(pc) =	sbr.rel $0x88, $3  }
0x1: {  	(tag) =	ssettag $0x0;
	lr =	simm.s32 $0x1  }
0x2: {  	[smem:$0x3F9B] =	sst lr;
	_ =	strace $0xD0000000  }
0x3: {  	_ = 	snop  }
0x4: {  	_ = 	snop  }
0x5: {  	_ = 	snop  }
0x6: {  	_ = 	snop  }
0x7: {  	_ = 	snop  }
__scs_overlays_trampoline_lowered:
0x8: {  	[smem:$0x3FAA] =	sst s0  }
0x9: {  	[smem:$0x3FAB] =	sst s1  }
0xa: {  	[smem:$0x3FAC] =	sst s2  }
0xb: {  	[smem:$0x3FAD] =	sst s3  }
0xc: {  	[smem:$0x3FAE] =	sst s4  }
0xd: {  	[smem:$0x3FAF] =	sst s5  }
0xe: {  	[smem:$0x3FB0] =	sst s6  }
0xf: {  	[smem:$0x3FB1] =	sst s7  }
0x10: {  	[smem:$0x3FB2] =	sst s8  }
0x11: {  	[smem:$0x3FB3] =	sst s9;
	s0 =	simm.s32 @!p0 $0x0  }
0x12: {  	s1 =	sld [smem:$0x3F99];
	s0 =	simm.s32 @p0 $0x1  }
0x13: {  	[smem:$0x3FB4] =	sst s0;
	s0 =	simm.s32 @!p1 $0x0  }
0x14: {  	s2 =	sld [smem:$0x3F98];
	s0 =	simm.s32 @p1 $0x1  }
0x15: {  	[smem:$0x3FB5] =	sst s0;
	s0 =	simm.s32 @!p2 $0x0  }
0x16: {  	s3 =	sld [smem:$0x3FDB];
	s0 =	simm.s32 @p2 $0x1  }
0x17: {  	s4 =	simm.s32 $0x1BF5;
	[smem:$0x3FB7] =	sst s0  }
0x18: {  	s0 =	sld [smem:$0x3F9A];
	_ =	swait.ge [sflag:s4], $0x0  }
0x19: {  	s7 =	sld [smem:$0x3F9B]  }
0x1a: {  	s8 =	sadd.s32 $0xFFFFE003, lr  }
0x1b: {  	s9 =	sadd.s32 $0xFFFFFEF7, lr;
	s5 =	simm.s32 $0xFFFFFFFF;
	p2 =	slt.u32 s8, $0xFFFFF086  }
0x1c: {  	p1 =	slt.u32 s9, $0xF7A;
	s5 =	simm.s32 @!p2 $0x0  }
0x1d: {  	s5 =	simm.s32 @p1 $0x1;
	p0 =	seq.s32 s7, s2  }
0x1e: {  	s7 =	smul.u32 @!p0 $0xF7A, s2;
	p2 =	seq.s32 @!p0 s5, $0x0  }
0x1f: {  	s9 =	smul.u32 $0xF7A, s1;
	s8 =	simm.s32 @!p0 $0x1BF5;
	p2 =	por !p2, p0  }
0x20: {  	[sflag:s8] =	ssyncset.s32 @!p0 $0xFFFFF086;
	s6 =	sadd.s32 @!p0 s3, s7;
	s7 =	simm.s32 @!p0 $0x108  }
0x21: {  	s3 =	sadd.s32 s3, s9;
	s6 =	sadd.s32 @!p0 $0x88, s6;
	s7 =	simm.s32 @p2 $0x1082  }
0x22: {  	[simem:s7], [sflag:s8] =	dma.local @!p0 [hbm:s6], $0xF7A  }
0x23: {  	s9 =	sor.u32 $0xD0000000, s2;
	s6 =	simm.s32 $0x108;
	_ =	swait.ge @!p0 [sflag:s8], $0x0  }
0x24: {  	s3 =	sadd.s32 $0x88, s3;
	s6 =	simm.s32 @!p1 $0x1082;
	[sflag:s4] =	ssyncset.s32 $0xFFFFF086  }
0x25: {  	[simem:s6], [sflag:s4] =	dma.local [hbm:s3], $0xF7A  }
0x26: {  	[smem:$0x3F9B] =	sst s1;
	(tag) =	ssettag s2;
	_ =	strace s9  }
0x27: {  	s1 =	sld [smem:$0x3FAB]  }
0x28: {  	s2 =	sld [smem:$0x3FAC]  }
0x29: {  	s4 =	sld [smem:$0x3FAE]  }
0x2a: {  	p0 =	seq.s32 s5, $0x0;
	s5 =	sld [smem:$0x3FAF]  }
0x2b: {  	s6 =	sld [smem:$0x3FB0]  }
0x2c: {  	s7 =	sld [smem:$0x3FB1]  }
0x2d: {  	s3 =	simm.s32 $0x108;
	s8 =	sld [smem:$0x3FB2]  }
0x2e: {  	s3 =	simm.s32 @!p0 $0x1082;
	s9 =	sld [smem:$0x3FB3]  }
0x2f: {  	lr =	sadd.s32 s0, s3;
	s0 =	sld [smem:$0x3FAA]  }
0x30: {  	s3 =	sld [smem:$0x3FAD]  }
0x31: {  	[smem:$0x3FB6] =	sst s10  }
0x32: {  	s10 =	sld [smem:$0x3FB4];
	_ =	sdelay $0x3  }
0x33: {  	p0 =	seq.s32 s10, $0x1;
	s10 =	sld [smem:$0x3FB6];
	_ =	sdelay $0x3  }
0x34: {  	[smem:$0x3FB6] =	sst s10  }
0x35: {  	s10 =	sld [smem:$0x3FB5];
	_ =	sdelay $0x3  }
0x36: {  	p1 =	seq.s32 s10, $0x1;
	s10 =	sld [smem:$0x3FB6];
	_ =	sdelay $0x3  }
0x37: {  	[smem:$0x3FB6] =	sst s10  }
0x38: {  	s10 =	sld [smem:$0x3FB7]  }
0x39: {  	_ = 	snop;
	(pc) =	sbr.ind lr, $3  }
0x3a: {  	_ = 	snop  }
0x3b: {  	_ = 	snop  }
0x3c: {  	p2 =	seq.s32 s10, $0x1;
	s10 =	sld [smem:$0x3FB6]  }
0x3d: {  	_ =	shalt  }
0x3e: {  	_ =	shalt  }
0x3f: {  	_ =	shalt  }
0x40: {  	_ =	shalt  }
0x41: {  	_ =	shalt  }
0x42: {  	_ =	shalt  }
0x43: {  	_ =	shalt  }
0x44: {  	_ =	shalt  }
0x45: {  	_ =	shalt  }
0x46: {  	_ =	shalt  }
0x47: {  	_ =	shalt  }
0x48: {  	_ =	shalt  }
0x49: {  	_ =	shalt  }
0x4a: {  	_ =	shalt  }
0x4b: {  	_ =	shalt  }
0x4c: {  	_ =	shalt  }
0x4d: {  	_ =	shalt  }
0x4e: {  	_ =	shalt  }
0x4f: {  	_ =	shalt  }
0x50: {  	_ =	shalt  }
0x51: {  	_ =	shalt  }
0x52: {  	_ =	shalt  }
0x53: {  	_ =	shalt  }
0x54: {  	_ =	shalt  }
0x55: {  	_ =	shalt  }
0x56: {  	_ =	shalt  }
0x57: {  	_ =	shalt  }
0x58: {  	_ =	shalt  }
0x59: {  	_ =	shalt  }
0x5a: {  	_ =	shalt  }
0x5b: {  	_ =	shalt  }
0x5c: {  	_ =	shalt  }
0x5d: {  	_ =	shalt  }
0x5e: {  	_ =	shalt  }
0x5f: {  	_ =	shalt  }
0x60: {  	_ =	shalt  }
0x61: {  	_ =	shalt  }
0x62: {  	_ =	shalt  }
0x63: {  	_ =	shalt  }
0x64: {  	_ =	shalt  }
0x65: {  	_ =	shalt  }
0x66: {  	_ =	shalt  }
0x67: {  	_ =	shalt  }
0x68: {  	_ =	shalt  }
0x69: {  	_ =	shalt  }
0x6a: {  	_ =	shalt  }
0x6b: {  	_ =	shalt  }
0x6c: {  	_ =	shalt  }
0x6d: {  	_ =	shalt  }
0x6e: {  	_ =	shalt  }
0x6f: {  	_ =	shalt  }
0x70: {  	_ =	shalt  }
0x71: {  	_ =	shalt  }
0x72: {  	_ =	shalt  }
0x73: {  	_ =	shalt  }
0x74: {  	_ =	shalt  }
0x75: {  	_ =	shalt  }
0x76: {  	_ =	shalt  }
0x77: {  	_ =	shalt  }
0x78: {  	_ =	shalt  }
0x79: {  	_ =	shalt  }
0x7a: {  	_ =	shalt  }
0x7b: {  	_ =	shalt  }
0x7c: {  	_ =	shalt  }
0x7d: {  	_ =	shalt  }
0x7e: {  	_ =	shalt  }
0x7f: {  	_ =	shalt  }
0x80: {  	_ =	shalt  }
0x81: {  	_ =	shalt  }
0x82: {  	_ =	shalt  }
0x83: {  	_ =	shalt  }
0x84: {  	_ =	shalt  }
0x85: {  	_ =	shalt  }
0x86: {  	_ =	shalt  }
0x87: {  	_ =	shalt  }
.Lfunc_end0:
.L_simem_size_0:
called_computation_lowered:
.L_overlay_start_0:
0x88: {  	s2 =	sld [smem:$0x3FD9]  }
0x89: {  	s3 =	sld [smem:$0x3FFE];
	_ =	sdelay $0x1  }
0x8a: {  	s1 =	srdreg.scid  }
0x8b: {  	s0 =	sand.u32 $0x1, s1  }
0x8c: {  	s17 =	sshll.u32 s0, $0xA;
	s2 =	sadd.s32 s3, s2  }
0x8d: {  	s2 =	sadd.s32 s2, s17  }
0x8e: {  	[smem:$0x3FC2] =	sst s2  }
0x8f: {  	_ = 	snop  }
0x90: {  	s2 =	sld [smem:$0x3FC7]  }
0x91: {  	s18 =	sld [smem:$0x3FC6];
	(tm) =	ssettm $0x1  }
0x92: {  	s4 =	sld [smem:$0x3FFB];
	_ =	sdelay $0x3  }
0x93: {  	_ =	strace s4  }
0x94: {  	s4 =	sld [smem:$0x3FFC];
	_ =	sdelay $0x3  }
0x95: {  	_ =	strace s4  }
0x96: {  	s4 =	sld [smem:$0x3FFD];
	_ =	sdelay $0x3  }
0x97: {  	_ =	strace s4  }
0x98: {  	_ =	strace $0x8FFFFFFF  }
0x99: {  	s19 =	sld [smem:$0x3FDB];
	_ =	sdelay $0x1  }
0x9a: {  	s5 =	simm.s32 $_scs_section_size  }
0x9b: {  	s6 =	simm.s32 $_size__tile_overlayer_lowered;
	s7 =	simm.s32 $_tile_overlayer_lowered  }
0x9c: {  	s22 =	simm.s32 $0x1BFF;
	s21 =	sshll.u32 s7, $0x1;
	s4 =	sadd.s32 s5, s19  }
0x9d: {  	s8 =	simm.s32 $0x0;
	s20 =	sshll.u32 s6, $0x1;
	s6 =	sadd.s32 s21, s4  }
0x9e: {  	[timem:s8], [sflag:s22] =	dma.local [hbm:s6], s20  }
0x9f: {  	_ =	swait.ge [sflag:s22], s20  }
0xa0: {  	s5 =	ssub.s32 $0x0, s20;
	[sflag:s22] =	ssyncset.done $0x0  }
0xa1: {  	[sflag:s22] =	ssyncadd.s32 s5;
	_ =	sdelay $0x1  }
0xa2: {  	s23 =	simm.s32 $0x1B8B  }
0xa3: {  	_ =	swait.ge [sflag:s23], $0x1  }
0xa4: {  	[sflag:s23] =	ssyncset.done $0x0  }
0xa5: {  	s25 =	simm.s32 $0x1B8E;
	s24 =	sld [smem:$0x3FFE];
	[sflag:s23] =	ssyncadd.s32 $0xFFFFFFFF  }
0xa6: {  	s26 =	simm.s32 $execute0_lowered;
	[smem:$0x3FD2] =	sst s25  }
0xa7: {  	s6 =	sshll.u32 s26, $0x1;
	_ =	strace $0x80000046;
	[dreg:$0x1] =	wrdreg $0xFFFFFFFF  }
0xa8: {  	s28 =	simm.s32 $_size_execute0_lowered;
	s4 =	sadd.s32 s4, s6;
	[dreg:$0x0] =	wrdreg $0x0  }
0xa9: {  	s6 =	sshll.u32 s28, $0x1;
	[dreg:$0x2] =	wrdreg s4  }
0xaa: {  	[dreg:$0x3] =	wrdreg s6  }
0xab: {  	[dreg:$0x4] =	wrdreg $0xC0  }
0xac: {  	_ =	task [dreg:s8], $0x5FFFF  }
0xad: {  	[dreg:$0x1] =	wrdreg $0xFFFFFFFF  }
0xae: {  	[dreg:$0x0] =	wrdreg $0x60  }
0xaf: {  	[dreg:$0x2] =	wrdreg s24  }
0xb0: {  	[dreg:$0x3] =	wrdreg s2  }
0xb1: {  	[dreg:$0x4] =	wrdreg s18  }
0xb2: {  	[dreg:$0x5] =	wrdreg $0x9  }
0xb3: {  	_ =	task.clear_ibuf [dreg:s8], $0x6FFFF;
	_ =	strace $0x90000046  }
0xb4: {  	s29 =	simm.s32 $0x9;
	_ =	strace $0x80000048  }
0xb5: {  	_ =	swait.ge [sflag:s29], $0x1  }
0xb6: {  	[sflag:s29] =	ssyncadd.s32 $0xFFFFFFFF  }
0xb7: {  	_ =	strace $0x90000048  }
0xb8: {  	_ =	sfence  }
0xb9: {  	s30 =	sld [smem:$0x0];
	_ =	sdelay $0x2  }
0xba: {  	s31 =	sshll.u32 s1, $0xD;
	s1 =	sshrl.u32 s1, $0x2  }
0xbb: {  	s3 =	sand.u32 $0x4000, s31;
	s1 =	sadd.s32 s1, s30  }
0xbc: {  	s0 =	sor.u32 s3, s0;
	s1 =	sshll.u32 s1, $0x11  }
0xbd: {  	s0 =	sor.u32 s1, s0  }
0xbe: {  	s0 =	sadd.s32 $0x8F2B, s0  }
0xbf: {  	[sflag:s0] =	ssyncadd.remote.s32 $0x1  }
0xc0: {  	_ =	sfence.sel $0xFFFF  }
0xc1: {  	[dreg:$0x0] =	wrdreg $0xFFFFFFFF;
	(pc) =	sbr.abs _section_cstart, $3  }
0xc2: {  	[dreg:$0x1] =	wrdreg $0xFFFFFFFF  }
0xc3: {  	_ =	task.clear_ibuf [dreg:s8], $0x2FFFF;
	_ =	strace $0x9FFFFFFF  }
0xc4: {  	(tm) =	ssettm $0x7FFFFFFF  }
0xc5: {  	_ =	shalt  }
tec
execute0_lowered:
.L_overlay_start_1:
0x0: {  	(tag) =	ssettag $0x1  }
0x1: {  	s4 =	rddreg [dreg:$0x0]  }
0x2: {  	s6 =	rddreg [dreg:$0x1];
	s1 =	srdreg.scid  }
0x3: {  	s0 =	stileid.u32;
	s7 =	rddreg [dreg:$0x2]  }
0x4: {  	s2 =	simm.s32 $0x0;
	s12 =	simm.s32 $0x7580;
	s13 =	simm.s32 $0x7A00  }
0x5: {  	s14 =	simm.s32 $0x1;
	s15 =	simm.s32 $0xDA00;
	s16 =	simm.s32 $0x2  }
0x6: {  	s3 =	sand.u32 $0x1, s1;
	s5 =	sshll.u32 s0, $0x1;
	s1 =	rddreg [dreg:$0x3]  }
0x7: {  	s17 =	simm.s32 $0x0;
	[smem:$0x7FF] =	sst s2;
	s8 =	sor.u32 s3, s5  }
0x8: {  	v0 =	vimm.f32 $0.0e+00;
	vm0 =	vcmask $0x3B38;
	vm1 =	vmmov $0x3fff;
	_ =	strace $0x80000047;
	s9 =	ssub.s32 $0x2, s3;
	s3 =	sadd.s32 $0x1C200, s4  }
0x9: {  	v1 =	vimm.s32 $0x0;
	v2 =	vimm.s32 $0x1;
	v3 =	vimm.s32 $0x2;
	s5 =	smul.u32 $0x700, s8;
	s10 =	sshll.u32 s8, $0x4;
	s11 =	sshrl.u32 s9, $0x1  }
0xa: {  	v4 =	vimm.s32 $0x3;
	v5 =	vimm.s32 $0x4;
	v6 =	vimm.s32 $0x5;
	s8 =	sshll.u32 s8, $0x7;
	s10 =	sadd.s32 s10, s4;
	s9 =	ssub.s32 s9, s11  }
0xb: {  	v7 =	vimm.s32 $0x6;
	v8 =	vimm.s32 $0x7;
	v9 =	vimm.s32 $0x8;
	s6 =	sadd.s32 s6, s8;
	s7 =	sadd.s32 s7, s8;
	s11 =	simm.s32 $0x7100  }
0xc: {  	v10 =	vimm.s32 $0x9;
	v11 =	vimm.s32 $0xA;
	v12 =	vimm.s32 $0xB;
	s5 =	sadd.s32 s5, s4;
	s8 =	sadd.s32 $0x1C800, s10;
	s9 =	smax.u32 s9, $0x1  }
0xd: {  	v13 =	vimm.s32 $0xC;
	v14 =	vimm.s32 $0xD;
	v15 =	vimm.s32 $0xE;
	s10 =	simm.s32 $0x3880;
	s4 =	sadd.s32 $0x200, s5;
	s5 =	sadd.s32 $0xE200, s5  }
.LBB2_1:
0xe: {  	[tilespmem:s2], [sflag:$0x1] =	stream.linear.gather [hbm4b:s4+s2], $0x3800, $0x38;
	[tilespmem:$0xDA80] =	vst v63  }
0xf: {  	_ = 	snop  }
0x10: {  	[tilespmem:s10], [sflag:$0x1] =	stream.linear.gather [hbm4b:s5+s2], $0x3800, $0x38;
	[tilespmem:$0xDA80] =	vst v63  }
0x11: {  	_ = 	snop  }
0x12: {  	[tilespmem:s11], [sflag:$0x1] =	stream.linear.gather [hbm4b:s6+s2], $0x400, $0x38;
	[tilespmem:$0xDA80] =	vst v63  }
0x13: {  	_ = 	snop  }
0x14: {  	[tilespmem:s12], [sflag:$0x1] =	stream.linear.gather [hbm4b:s7+s2], $0x400, $0x38;
	[tilespmem:$0xDA80] =	vst v63  }
0x15: {  	s18 =	simm.s32 $0x40;
	s19 =	simm.s32 $0x0  }
0x16: {  	[tilespmem:s13], [sflag:$0x1] =	stream.linear.gather [hbm4b:s3+s2], $0x3000, $0x38;
	[tilespmem:$0xDA80] =	vst v63  }
.LBB2_2:
0x17: {  	p0 =	sne.s32 s18, $0xBFC0;
	[tilespmem:s19+$0xAA00] =	vst v0;
	s19 =	smov.u32 s18;
	s18 =	sadd.s32 $0x40, s18  }
.Ltmp0:
0x18: {  	(pc) =	sbr.rel @p0 .LBB2_2-.Ltmp0, $2  }
0x19: {  	_ =	sdelay $0x2  }
0x1a: {  	s19 =	sshra.s32 s19, $0x2  }
0x1b: {  	[tilespmem:s19+$0xAA00] =	vst v0  }
0x1c: {  	_ =	swait.ge [sflag:s14], $0x3800  }
0x1d: {  	[sflag:s14] =	ssyncset.done $0x0  }
0x1e: {  	[sflag:s14] =	ssyncadd.s32 $0xFFFFC800  }
0x1f: {  	_ =	swait.ge [sflag:s14], $0x3800  }
0x20: {  	[sflag:s14] =	ssyncset.done $0x0  }
0x21: {  	[sflag:s14] =	ssyncadd.s32 $0xFFFFC800  }
0x22: {  	_ =	swait.ge [sflag:s14], $0x400  }
0x23: {  	[sflag:s14] =	ssyncset.done $0x0  }
0x24: {  	[sflag:s14] =	ssyncadd.s32 $0xFFFFFC00  }
0x25: {  	_ =	swait.ge [sflag:s14], $0x400  }
0x26: {  	[sflag:s14] =	ssyncset.done $0x0  }
0x27: {  	[sflag:s14] =	ssyncadd.s32 $0xFFFFFC00  }
0x28: {  	_ =	swait.ge [sflag:s14], $0x3000  }
0x29: {  	s18 =	simm.s32 $0x0;
	s19 =	simm.s32 $0x1C;
	[sflag:s14] =	ssyncset.done $0x0  }
0x2a: {  	s20 =	simm.s32 $0x389C;
	s21 =	simm.s32 $0x0;
	[sflag:s14] =	ssyncadd.s32 $0xFFFFD000  }
.LBB2_4:
0x2b: {  	s22 =	sshra.s32 s21, $0x2  }
0x2c: {  	v16 =	vld [tilespmem:s22+$0x7100]  }
0x2d: {  	v17 =	vld [tilespmem:s22+$0x7580];
	_ =	sdelay $0x3  }
0x2e: {  	v16 =	vshll.u32 v16, $0x2  }
0x2f: {  	v16 =	vadd.s32 v17, v16  }
0x30: {  	v16 =	vmul.u32 $0xC00, v16;
	_ =	sdelay $0x1  }
0x31: {  	v18 =	vshra.s32 v16, $0x2  }
0x32: {  	(v2sf) =	vpush v18, $0x0;
	_ =	sdelay $0x5  }
0x33: {  	v19 =	vld [tilespmem:s19+$0xFFFFFFE4];
	_ =	sdelay $0x2  }
0x34: {  	v20 =	vld [tilespmem:s20+$0xFFFFFFE4];
	v16 =	vimm.f32 $0.0e+00  }
0x35: {  	v17 =	vsel vm0, $0x3F800000, v16  }
0x36: {  	v19 =	vsel vm1, v19, v17  }
0x37: {  	v21 =	vperm.xlane v19, v1;
	_ =	sdelay $0x1  }
0x38: {  	v20 =	vnsel vm1, $0x0, v20;
	v23 =	vperm.xlane v19, v2;
	v22 =	vmul.f32 v21, v19  }
0x39: {  	v21 =	vmul.f32 v20, v21;
	s28 =	spop (v2sf)  }
0x3a: {  	v24 =	vperm.xlane v19, v3;
	v63 =	vmul.f32 v23, v19;
	[tilespmem:s28+$0xAA00] =	vst.add.f32.msk $0xffff, v22  }
0x3b: {  	v28 =	vmul.f32 v23, v20;
	[tilespmem:s28+$0xAAF0] =	vst.add.f32.msk $0xffff, v21  }
0x3c: {  	v30 =	vperm.xlane v19, v4;
	v29 =	vmul.f32 v24, v19;
	[tilespmem:s28+$0xAA10] =	vst.add.f32.msk $0xffff, v63  }
0x3d: {  	v31 =	vmul.f32 v24, v20;
	[tilespmem:s28+$0xAB00] =	vst.add.f32.msk $0xffff, v28  }
0x3e: {  	v33 =	vperm.xlane v19, v5;
	v32 =	vmul.f32 v30, v19;
	[tilespmem:s28+$0xAA20] =	vst.add.f32.msk $0xffff, v29  }
0x3f: {  	v34 =	vmul.f32 v30, v20;
	[tilespmem:s28+$0xAB10] =	vst.add.f32.msk $0xffff, v31  }
0x40: {  	v36 =	vperm.xlane v19, v6;
	v35 =	vmul.f32 v33, v19;
	[tilespmem:s28+$0xAA30] =	vst.add.f32.msk $0xffff, v32  }
0x41: {  	v37 =	vmul.f32 v33, v20;
	[tilespmem:s28+$0xAB20] =	vst.add.f32.msk $0xffff, v34  }
0x42: {  	v39 =	vperm.xlane v19, v7;
	v38 =	vmul.f32 v36, v19;
	[tilespmem:s28+$0xAA40] =	vst.add.f32.msk $0xffff, v35  }
0x43: {  	v40 =	vmul.f32 v36, v20;
	[tilespmem:s28+$0xAB30] =	vst.add.f32.msk $0xffff, v37  }
0x44: {  	v42 =	vperm.xlane v19, v8;
	v41 =	vmul.f32 v39, v19;
	[tilespmem:s28+$0xAA50] =	vst.add.f32.msk $0xffff, v38  }
0x45: {  	v43 =	vmul.f32 v39, v20;
	[tilespmem:s28+$0xAB40] =	vst.add.f32.msk $0xffff, v40  }
0x46: {  	v45 =	vperm.xlane v19, v9;
	v44 =	vmul.f32 v42, v19;
	[tilespmem:s28+$0xAA60] =	vst.add.f32.msk $0xffff, v41  }
0x47: {  	v46 =	vmul.f32 v42, v20;
	[tilespmem:s28+$0xAB50] =	vst.add.f32.msk $0xffff, v43  }
0x48: {  	v48 =	vperm.xlane v19, v10;
	v47 =	vmul.f32 v45, v19;
	[tilespmem:s28+$0xAA70] =	vst.add.f32.msk $0xffff, v44  }
0x49: {  	v49 =	vmul.f32 v45, v20;
	[tilespmem:s28+$0xAB60] =	vst.add.f32.msk $0xffff, v46  }
0x4a: {  	v51 =	vperm.xlane v19, v11;
	v50 =	vmul.f32 v48, v19;
	[tilespmem:s28+$0xAA80] =	vst.add.f32.msk $0xffff, v47  }
0x4b: {  	v52 =	vmul.f32 v48, v20;
	[tilespmem:s28+$0xAB70] =	vst.add.f32.msk $0xffff, v49  }
0x4c: {  	v54 =	vperm.xlane v19, v12;
	v53 =	vmul.f32 v51, v19;
	[tilespmem:s28+$0xAA90] =	vst.add.f32.msk $0xffff, v50  }
0x4d: {  	v55 =	vmul.f32 v51, v20;
	[tilespmem:s28+$0xAB80] =	vst.add.f32.msk $0xffff, v52  }
0x4e: {  	v57 =	vperm.xlane v19, v13;
	v56 =	vmul.f32 v54, v19;
	[tilespmem:s28+$0xAAA0] =	vst.add.f32.msk $0xffff, v53  }
0x4f: {  	v58 =	vmul.f32 v54, v20;
	[tilespmem:s28+$0xAB90] =	vst.add.f32.msk $0xffff, v55  }
0x50: {  	v60 =	vperm.xlane v19, v14;
	v59 =	vmul.f32 v57, v19;
	[tilespmem:s28+$0xAAB0] =	vst.add.f32.msk $0xffff, v56  }
0x51: {  	v61 =	vmul.f32 v57, v20;
	[tilespmem:s28+$0xABA0] =	vst.add.f32.msk $0xffff, v58  }
0x52: {  	v62 =	vmul.f32 v60, v19;
	[tilespmem:s28+$0xAAC0] =	vst.add.f32.msk $0xffff, v59;
	v63 =	vperm.xlane v19, v15  }
0x53: {  	v27 =	vmul.f32 v60, v20;
	v30 =	vperm.xlane v20, v2;
	[tilespmem:s28+$0xABB0] =	vst.add.f32.msk $0xffff, v61  }
0x54: {  	[tilespmem:s28+$0xAAD0] =	vst.add.f32.msk $0xffff, v62;
	v28 =	vperm.xlane v20, v1;
	v19 =	vmul.f32 v63, v19  }
0x55: {  	v33 =	vperm.xlane v20, v4;
	[tilespmem:s28+$0xABC0] =	vst.add.f32.msk $0xffff, v27;
	v32 =	vmul.f32 v30, v20  }
0x56: {  	v31 =	vperm.xlane v20, v3;
	[tilespmem:s28+$0xAAE0] =	vst.add.f32.msk $0xffff, v19;
	v19 =	vmul.f32 v28, v20  }
0x57: {  	v36 =	vperm.xlane v20, v6;
	v35 =	vmul.f32 v33, v20;
	[tilespmem:s28+$0xABF0] =	vst.add.f32.msk $0xffff, v32  }
0x58: {  	v34 =	vperm.xlane v20, v5;
	[tilespmem:s28+$0xABE0] =	vst.add.f32.msk $0xffff, v19;
	v19 =	vmul.f32 v31, v20  }
0x59: {  	v39 =	vperm.xlane v20, v8;
	v38 =	vmul.f32 v36, v20;
	[tilespmem:s28+$0xAC10] =	vst.add.f32.msk $0xffff, v35  }
0x5a: {  	v37 =	vperm.xlane v20, v7;
	[tilespmem:s28+$0xAC00] =	vst.add.f32.msk $0xffff, v19;
	v19 =	vmul.f32 v34, v20  }
0x5b: {  	v42 =	vperm.xlane v20, v10;
	v41 =	vmul.f32 v39, v20;
	[tilespmem:s28+$0xAC30] =	vst.add.f32.msk $0xffff, v38  }
0x5c: {  	v40 =	vperm.xlane v20, v9;
	[tilespmem:s28+$0xAC20] =	vst.add.f32.msk $0xffff, v19;
	v19 =	vmul.f32 v37, v20  }
0x5d: {  	v45 =	vperm.xlane v20, v12;
	v44 =	vmul.f32 v42, v20;
	[tilespmem:s28+$0xAC50] =	vst.add.f32.msk $0xffff, v41  }
0x5e: {  	v43 =	vperm.xlane v20, v11;
	[tilespmem:s28+$0xAC40] =	vst.add.f32.msk $0xffff, v19;
	v19 =	vmul.f32 v40, v20  }
0x5f: {  	v47 =	vmul.f32 v45, v20;
	[tilespmem:s28+$0xAC70] =	vst.add.f32.msk $0xffff, v44  }
0x60: {  	(v2sf) =	vpush v18, $0x1;
	v46 =	vperm.xlane v20, v13;
	[tilespmem:s28+$0xAC60] =	vst.add.f32.msk $0xffff, v19;
	v19 =	vmul.f32 v43, v20  }
0x61: {  	v48 =	vperm.xlane v20, v14;
	v29 =	vmul.f32 v63, v20;
	[tilespmem:s28+$0xAC90] =	vst.add.f32.msk $0xffff, v47  }
0x62: {  	[tilespmem:s28+$0xAC80] =	vst.add.f32.msk $0xffff, v19;
	v19 =	vmul.f32 v46, v20  }
0x63: {  	[tilespmem:s28+$0xABD0] =	vst.add.f32.msk $0xffff, v29;
	v20 =	vmul.f32 v48, v20  }
0x64: {  	[tilespmem:s28+$0xACA0] =	vst.add.f32.msk $0xffff, v19  }
0x65: {  	[tilespmem:s28+$0xACB0] =	vst.add.f32.msk $0xffff, v20  }
0x66: {  	v19 =	vld [tilespmem:s19+$0xFFFFFFF2];
	_ =	sdelay $0x2  }
0x67: {  	v20 =	vld [tilespmem:s20+$0xFFFFFFF2];
	_ =	sdelay $0x1  }
0x68: {  	v19 =	vsel vm1, v19, v17  }
0x69: {  	v49 =	vperm.xlane v19, v1;
	_ =	sdelay $0x1  }
0x6a: {  	v20 =	vnsel vm1, $0x0, v20;
	v51 =	vperm.xlane v19, v2;
	v50 =	vmul.f32 v49, v19  }
0x6b: {  	s29 =	spop (v2sf);
	v21 =	vmul.f32 v20, v49  }
0x6c: {  	v53 =	vperm.xlane v19, v3;
	v52 =	vmul.f32 v51, v19;
	[tilespmem:s29+$0xAA00] =	vst.add.f32.msk $0xffff, v50  }
0x6d: {  	v54 =	vmul.f32 v51, v20;
	[tilespmem:s29+$0xAAF0] =	vst.add.f32.msk $0xffff, v21  }
0x6e: {  	v56 =	vperm.xlane v19, v4;
	v55 =	vmul.f32 v53, v19;
	[tilespmem:s29+$0xAA10] =	vst.add.f32.msk $0xffff, v52  }
0x6f: {  	v57 =	vmul.f32 v53, v20;
	[tilespmem:s29+$0xAB00] =	vst.add.f32.msk $0xffff, v54  }
0x70: {  	v59 =	vperm.xlane v19, v5;
	v58 =	vmul.f32 v56, v19;
	[tilespmem:s29+$0xAA20] =	vst.add.f32.msk $0xffff, v55  }
0x71: {  	v60 =	vmul.f32 v56, v20;
	[tilespmem:s29+$0xAB10] =	vst.add.f32.msk $0xffff, v57  }
0x72: {  	v62 =	vperm.xlane v19, v6;
	v61 =	vmul.f32 v59, v19;
	[tilespmem:s29+$0xAA30] =	vst.add.f32.msk $0xffff, v58  }
0x73: {  	v63 =	vmul.f32 v59, v20;
	[tilespmem:s29+$0xAB20] =	vst.add.f32.msk $0xffff, v60  }
0x74: {  	v29 =	vperm.xlane v19, v7;
	v28 =	vmul.f32 v62, v19;
	[tilespmem:s29+$0xAA40] =	vst.add.f32.msk $0xffff, v61  }
0x75: {  	v30 =	vmul.f32 v62, v20;
	[tilespmem:s29+$0xAB30] =	vst.add.f32.msk $0xffff, v63  }
0x76: {  	v32 =	vperm.xlane v19, v8;
	v31 =	vmul.f32 v29, v19;
	[tilespmem:s29+$0xAA50] =	vst.add.f32.msk $0xffff, v28  }
0x77: {  	v33 =	vmul.f32 v29, v20;
	[tilespmem:s29+$0xAB40] =	vst.add.f32.msk $0xffff, v30  }
0x78: {  	v35 =	vperm.xlane v19, v9;
	v34 =	vmul.f32 v32, v19;
	[tilespmem:s29+$0xAA60] =	vst.add.f32.msk $0xffff, v31  }
0x79: {  	v36 =	vmul.f32 v32, v20;
	[tilespmem:s29+$0xAB50] =	vst.add.f32.msk $0xffff, v33  }
0x7a: {  	v38 =	vperm.xlane v19, v10;
	v37 =	vmul.f32 v35, v19;
	[tilespmem:s29+$0xAA70] =	vst.add.f32.msk $0xffff, v34  }
0x7b: {  	v39 =	vmul.f32 v35, v20;
	[tilespmem:s29+$0xAB60] =	vst.add.f32.msk $0xffff, v36  }
0x7c: {  	v41 =	vperm.xlane v19, v11;
	v40 =	vmul.f32 v38, v19;
	[tilespmem:s29+$0xAA80] =	vst.add.f32.msk $0xffff, v37  }
0x7d: {  	v42 =	vmul.f32 v38, v20;
	[tilespmem:s29+$0xAB70] =	vst.add.f32.msk $0xffff, v39  }
0x7e: {  	v44 =	vperm.xlane v19, v12;
	v43 =	vmul.f32 v41, v19;
	[tilespmem:s29+$0xAA90] =	vst.add.f32.msk $0xffff, v40  }
0x7f: {  	v45 =	vmul.f32 v41, v20;
	[tilespmem:s29+$0xAB80] =	vst.add.f32.msk $0xffff, v42  }
0x80: {  	v47 =	vperm.xlane v19, v13;
	v46 =	vmul.f32 v44, v19;
	[tilespmem:s29+$0xAAA0] =	vst.add.f32.msk $0xffff, v43  }
0x81: {  	v26 =	vperm.xlane v20, v8;
	v48 =	vmul.f32 v44, v20;
	[tilespmem:s29+$0xAB90] =	vst.add.f32.msk $0xffff, v45  }
0x82: {  	v49 =	vmul.f32 v47, v19;
	v53 =	vperm.xlane v19, v15;
	[tilespmem:s29+$0xAAB0] =	vst.add.f32.msk $0xffff, v46  }
0x83: {  	v51 =	vmul.f32 v47, v20;
	v29 =	vperm.xlane v20, v10;
	[tilespmem:s29+$0xABA0] =	vst.add.f32.msk $0xffff, v48  }
0x84: {  	v50 =	vperm.xlane v19, v14;
	[tilespmem:s29+$0xAAC0] =	vst.add.f32.msk $0xffff, v49;
	v56 =	vmul.f32 v53, v20  }
0x85: {  	[tilespmem:s29+$0xABB0] =	vst.add.f32.msk $0xffff, v51;
	v55 =	vperm.xlane v20, v1;
	v28 =	vmul.f32 v26, v20  }
0x86: {  	v52 =	vmul.f32 v50, v19;
	v19 =	vmul.f32 v53, v19;
	[tilespmem:s29+$0xABD0] =	vst.add.f32.msk $0xffff, v56  }
0x87: {  	v32 =	vperm.xlane v20, v12;
	v31 =	vmul.f32 v29, v20;
	[tilespmem:s29+$0xAC50] =	vst.add.f32.msk $0xffff, v28  }
0x88: {  	v58 =	vperm.xlane v20, v3;
	[tilespmem:s29+$0xAAE0] =	vst.add.f32.msk $0xffff, v19;
	v19 =	vmul.f32 v55, v20  }
0x89: {  	v34 =	vmul.f32 v32, v20;
	[tilespmem:s29+$0xAC70] =	vst.add.f32.msk $0xffff, v31  }
0x8a: {  	v61 =	vperm.xlane v20, v5;
	[tilespmem:s29+$0xABE0] =	vst.add.f32.msk $0xffff, v19;
	v19 =	vmul.f32 v58, v20  }
0x8b: {  	[tilespmem:s29+$0xAC90] =	vst.add.f32.msk $0xffff, v34  }
0x8c: {  	v24 =	vperm.xlane v20, v7;
	[tilespmem:s29+$0xAC00] =	vst.add.f32.msk $0xffff, v19;
	v19 =	vmul.f32 v61, v20  }
0x8d: {  	v57 =	vperm.xlane v20, v2;
	v54 =	vmul.f32 v50, v20;
	[tilespmem:s29+$0xAAD0] =	vst.add.f32.msk $0xffff, v52  }
0x8e: {  	v27 =	vperm.xlane v20, v9;
	[tilespmem:s29+$0xAC20] =	vst.add.f32.msk $0xffff, v19;
	v19 =	vmul.f32 v24, v20  }
0x8f: {  	v60 =	vperm.xlane v20, v4;
	v59 =	vmul.f32 v57, v20;
	[tilespmem:s29+$0xABC0] =	vst.add.f32.msk $0xffff, v54  }
0x90: {  	v30 =	vperm.xlane v20, v11;
	[tilespmem:s29+$0xAC40] =	vst.add.f32.msk $0xffff, v19;
	v19 =	vmul.f32 v27, v20  }
0x91: {  	v63 =	vperm.xlane v20, v6;
	v62 =	vmul.f32 v60, v20;
	[tilespmem:s29+$0xABF0] =	vst.add.f32.msk $0xffff, v59  }
0x92: {  	(v2sf) =	vpush v18, $0x2;
	v33 =	vperm.xlane v20, v13;
	[tilespmem:s29+$0xAC60] =	vst.add.f32.msk $0xffff, v19;
	v19 =	vmul.f32 v30, v20  }
0x93: {  	v35 =	vperm.xlane v20, v14;
	v25 =	vmul.f32 v63, v20;
	[tilespmem:s29+$0xAC10] =	vst.add.f32.msk $0xffff, v62  }
0x94: {  	[tilespmem:s29+$0xAC80] =	vst.add.f32.msk $0xffff, v19;
	v19 =	vmul.f32 v33, v20  }
0x95: {  	[tilespmem:s29+$0xAC30] =	vst.add.f32.msk $0xffff, v25;
	v20 =	vmul.f32 v35, v20  }
0x96: {  	[tilespmem:s29+$0xACA0] =	vst.add.f32.msk $0xffff, v19  }
0x97: {  	[tilespmem:s29+$0xACB0] =	vst.add.f32.msk $0xffff, v20  }
0x98: {  	v19 =	vld [tilespmem:s19+$0x0];
	_ =	sdelay $0x2  }
0x99: {  	v20 =	vld [tilespmem:s20+$0x0];
	_ =	sdelay $0x1  }
0x9a: {  	v19 =	vsel vm1, v19, v17  }
0x9b: {  	v36 =	vperm.xlane v19, v1;
	_ =	sdelay $0x1  }
0x9c: {  	v20 =	vnsel vm1, $0x0, v20;
	v38 =	vperm.xlane v19, v2;
	v37 =	vmul.f32 v36, v19  }
0x9d: {  	s30 =	spop (v2sf);
	v21 =	vmul.f32 v20, v36  }
0x9e: {  	v40 =	vperm.xlane v19, v3;
	v39 =	vmul.f32 v38, v19;
	[tilespmem:s30+$0xAA00] =	vst.add.f32.msk $0xffff, v37  }
0x9f: {  	v41 =	vmul.f32 v38, v20;
	[tilespmem:s30+$0xAAF0] =	vst.add.f32.msk $0xffff, v21  }
0xa0: {  	v43 =	vperm.xlane v19, v4;
	v42 =	vmul.f32 v40, v19;
	[tilespmem:s30+$0xAA10] =	vst.add.f32.msk $0xffff, v39  }
0xa1: {  	v44 =	vmul.f32 v40, v20;
	[tilespmem:s30+$0xAB00] =	vst.add.f32.msk $0xffff, v41  }
0xa2: {  	v46 =	vperm.xlane v19, v5;
	v45 =	vmul.f32 v43, v19;
	[tilespmem:s30+$0xAA20] =	vst.add.f32.msk $0xffff, v42  }
0xa3: {  	v47 =	vmul.f32 v43, v20;
	[tilespmem:s30+$0xAB10] =	vst.add.f32.msk $0xffff, v44  }
0xa4: {  	v49 =	vperm.xlane v19, v6;
	v48 =	vmul.f32 v46, v19;
	[tilespmem:s30+$0xAA30] =	vst.add.f32.msk $0xffff, v45  }
0xa5: {  	v50 =	vmul.f32 v46, v20;
	[tilespmem:s30+$0xAB20] =	vst.add.f32.msk $0xffff, v47  }
0xa6: {  	v52 =	vperm.xlane v19, v7;
	v51 =	vmul.f32 v49, v19;
	[tilespmem:s30+$0xAA40] =	vst.add.f32.msk $0xffff, v48  }
0xa7: {  	v53 =	vmul.f32 v49, v20;
	[tilespmem:s30+$0xAB30] =	vst.add.f32.msk $0xffff, v50  }
0xa8: {  	v55 =	vperm.xlane v19, v8;
	v54 =	vmul.f32 v52, v19;
	[tilespmem:s30+$0xAA50] =	vst.add.f32.msk $0xffff, v51  }
0xa9: {  	v56 =	vmul.f32 v52, v20;
	[tilespmem:s30+$0xAB40] =	vst.add.f32.msk $0xffff, v53  }
0xaa: {  	v58 =	vperm.xlane v19, v9;
	v57 =	vmul.f32 v55, v19;
	[tilespmem:s30+$0xAA60] =	vst.add.f32.msk $0xffff, v54  }
0xab: {  	v59 =	vmul.f32 v55, v20;
	[tilespmem:s30+$0xAB50] =	vst.add.f32.msk $0xffff, v56  }
0xac: {  	v61 =	vperm.xlane v19, v10;
	v60 =	vmul.f32 v58, v19;
	[tilespmem:s30+$0xAA70] =	vst.add.f32.msk $0xffff, v57  }
0xad: {  	v62 =	vmul.f32 v58, v20;
	[tilespmem:s30+$0xAB60] =	vst.add.f32.msk $0xffff, v59  }
0xae: {  	v28 =	vperm.xlane v19, v11;
	v63 =	vmul.f32 v61, v19;
	[tilespmem:s30+$0xAA80] =	vst.add.f32.msk $0xffff, v60  }
0xaf: {  	v29 =	vmul.f32 v61, v20;
	[tilespmem:s30+$0xAB70] =	vst.add.f32.msk $0xffff, v62  }
0xb0: {  	v31 =	vperm.xlane v19, v12;
	v30 =	vmul.f32 v28, v19;
	[tilespmem:s30+$0xAA90] =	vst.add.f32.msk $0xffff, v63  }
0xb1: {  	v32 =	vmul.f32 v28, v20;
	[tilespmem:s30+$0xAB80] =	vst.add.f32.msk $0xffff, v29  }
0xb2: {  	v34 =	vperm.xlane v19, v13;
	v33 =	vmul.f32 v31, v19;
	[tilespmem:s30+$0xAAA0] =	vst.add.f32.msk $0xffff, v30  }
0xb3: {  	v35 =	vmul.f32 v31, v20;
	[tilespmem:s30+$0xAB90] =	vst.add.f32.msk $0xffff, v32  }
0xb4: {  	(v2sf) =	vpush v18, $0x3;
	v18 =	vperm.xlane v20, v13;
	v36 =	vmul.f32 v34, v19;
	[tilespmem:s30+$0xAAB0] =	vst.add.f32.msk $0xffff, v33  }
0xb5: {  	v38 =	vmul.f32 v34, v20;
	v40 =	vperm.xlane v19, v15;
	[tilespmem:s30+$0xABA0] =	vst.add.f32.msk $0xffff, v35  }
0xb6: {  	v18 =	vmul.f32 v18, v20;
	v37 =	vperm.xlane v19, v14;
	[tilespmem:s30+$0xAAC0] =	vst.add.f32.msk $0xffff, v36  }
0xb7: {  	[tilespmem:s30+$0xABB0] =	vst.add.f32.msk $0xffff, v38;
	v43 =	vmul.f32 v40, v20  }
0xb8: {  	[tilespmem:s30+$0xACA0] =	vst.add.f32.msk $0xffff, v18;
	v39 =	vmul.f32 v37, v19  }
0xb9: {  	v42 =	vperm.xlane v20, v1;
	v19 =	vmul.f32 v40, v19;
	[tilespmem:s30+$0xABD0] =	vst.add.f32.msk $0xffff, v43  }
0xba: {  	v44 =	vperm.xlane v20, v2;
	v41 =	vmul.f32 v37, v20;
	[tilespmem:s30+$0xAAD0] =	vst.add.f32.msk $0xffff, v39  }
0xbb: {  	v45 =	vperm.xlane v20, v3;
	[tilespmem:s30+$0xAAE0] =	vst.add.f32.msk $0xffff, v19;
	v19 =	vmul.f32 v42, v20  }
0xbc: {  	v47 =	vperm.xlane v20, v4;
	v46 =	vmul.f32 v44, v20;
	[tilespmem:s30+$0xABC0] =	vst.add.f32.msk $0xffff, v41  }
0xbd: {  	v48 =	vperm.xlane v20, v5;
	[tilespmem:s30+$0xABE0] =	vst.add.f32.msk $0xffff, v19;
	v19 =	vmul.f32 v45, v20  }
0xbe: {  	v50 =	vperm.xlane v20, v6;
	v49 =	vmul.f32 v47, v20;
	[tilespmem:s30+$0xABF0] =	vst.add.f32.msk $0xffff, v46  }
0xbf: {  	v51 =	vperm.xlane v20, v7;
	[tilespmem:s30+$0xAC00] =	vst.add.f32.msk $0xffff, v19;
	v19 =	vmul.f32 v48, v20  }
0xc0: {  	v53 =	vperm.xlane v20, v8;
	v52 =	vmul.f32 v50, v20;
	[tilespmem:s30+$0xAC10] =	vst.add.f32.msk $0xffff, v49  }
0xc1: {  	v54 =	vperm.xlane v20, v9;
	[tilespmem:s30+$0xAC20] =	vst.add.f32.msk $0xffff, v19;
	v19 =	vmul.f32 v51, v20  }
0xc2: {  	v56 =	vperm.xlane v20, v10;
	v55 =	vmul.f32 v53, v20;
	[tilespmem:s30+$0xAC30] =	vst.add.f32.msk $0xffff, v52  }
0xc3: {  	v57 =	vperm.xlane v20, v11;
	[tilespmem:s30+$0xAC40] =	vst.add.f32.msk $0xffff, v19;
	v19 =	vmul.f32 v54, v20  }
0xc4: {  	v59 =	vperm.xlane v20, v12;
	v58 =	vmul.f32 v56, v20;
	[tilespmem:s30+$0xAC50] =	vst.add.f32.msk $0xffff, v55  }
0xc5: {  	v61 =	vperm.xlane v20, v14;
	[tilespmem:s30+$0xAC60] =	vst.add.f32.msk $0xffff, v19;
	v19 =	vmul.f32 v57, v20  }
0xc6: {  	v60 =	vmul.f32 v59, v20;
	[tilespmem:s30+$0xAC70] =	vst.add.f32.msk $0xffff, v58  }
0xc7: {  	[tilespmem:s30+$0xAC80] =	vst.add.f32.msk $0xffff, v19;
	v19 =	vmul.f32 v61, v20  }
0xc8: {  	[tilespmem:s30+$0xAC90] =	vst.add.f32.msk $0xffff, v60  }
0xc9: {  	[tilespmem:s30+$0xACB0] =	vst.add.f32.msk $0xffff, v19  }
0xca: {  	v18 =	vld [tilespmem:s19+$0xE];
	_ =	sdelay $0x2  }
0xcb: {  	v19 =	vld [tilespmem:s20+$0xE];
	_ =	sdelay $0x1  }
0xcc: {  	v17 =	vsel vm1, v18, v17  }
0xcd: {  	v18 =	vperm.xlane v17, v1;
	_ =	sdelay $0x1  }
0xce: {  	v19 =	vnsel vm1, $0x0, v19;
	v63 =	vperm.xlane v17, v2;
	v62 =	vmul.f32 v18, v17  }
0xcf: {  	s31 =	spop (v2sf);
	v18 =	vmul.f32 v19, v18  }
0xd0: {  	v25 =	vperm.xlane v17, v3;
	v24 =	vmul.f32 v63, v17;
	[tilespmem:s31+$0xAA00] =	vst.add.f32.msk $0xffff, v62  }
0xd1: {  	[tilespmem:s31+$0xAAF0] =	vst.add.f32.msk $0xffff, v18;
	v18 =	vmul.f32 v63, v19  }
0xd2: {  	v27 =	vperm.xlane v17, v4;
	v26 =	vmul.f32 v25, v17;
	[tilespmem:s31+$0xAA10] =	vst.add.f32.msk $0xffff, v24  }
0xd3: {  	[tilespmem:s31+$0xAB00] =	vst.add.f32.msk $0xffff, v18;
	v18 =	vmul.f32 v25, v19  }
0xd4: {  	v29 =	vperm.xlane v17, v5;
	v28 =	vmul.f32 v27, v17;
	[tilespmem:s31+$0xAA20] =	vst.add.f32.msk $0xffff, v26  }
0xd5: {  	[tilespmem:s31+$0xAB10] =	vst.add.f32.msk $0xffff, v18;
	v18 =	vmul.f32 v27, v19  }
0xd6: {  	v31 =	vperm.xlane v17, v6;
	v30 =	vmul.f32 v29, v17;
	[tilespmem:s31+$0xAA30] =	vst.add.f32.msk $0xffff, v28  }
0xd7: {  	[tilespmem:s31+$0xAB20] =	vst.add.f32.msk $0xffff, v18;
	v18 =	vmul.f32 v29, v19  }
0xd8: {  	v33 =	vperm.xlane v17, v7;
	v32 =	vmul.f32 v31, v17;
	[tilespmem:s31+$0xAA40] =	vst.add.f32.msk $0xffff, v30  }
0xd9: {  	[tilespmem:s31+$0xAB30] =	vst.add.f32.msk $0xffff, v18;
	v18 =	vmul.f32 v31, v19  }
0xda: {  	v35 =	vperm.xlane v17, v8;
	v34 =	vmul.f32 v33, v17;
	[tilespmem:s31+$0xAA50] =	vst.add.f32.msk $0xffff, v32  }
0xdb: {  	[tilespmem:s31+$0xAB40] =	vst.add.f32.msk $0xffff, v18;
	v18 =	vmul.f32 v33, v19  }
0xdc: {  	v37 =	vperm.xlane v17, v9;
	v36 =	vmul.f32 v35, v17;
	[tilespmem:s31+$0xAA60] =	vst.add.f32.msk $0xffff, v34  }
0xdd: {  	[tilespmem:s31+$0xAB50] =	vst.add.f32.msk $0xffff, v18;
	v18 =	vmul.f32 v35, v19  }
0xde: {  	v39 =	vperm.xlane v17, v10;
	v38 =	vmul.f32 v37, v17;
	[tilespmem:s31+$0xAA70] =	vst.add.f32.msk $0xffff, v36  }
0xdf: {  	[tilespmem:s31+$0xAB60] =	vst.add.f32.msk $0xffff, v18;
	v18 =	vmul.f32 v37, v19  }
0xe0: {  	v41 =	vperm.xlane v17, v11;
	v40 =	vmul.f32 v39, v17;
	[tilespmem:s31+$0xAA80] =	vst.add.f32.msk $0xffff, v38  }
0xe1: {  	[tilespmem:s31+$0xAB70] =	vst.add.f32.msk $0xffff, v18;
	v18 =	vmul.f32 v39, v19  }
0xe2: {  	v43 =	vperm.xlane v17, v12;
	v42 =	vmul.f32 v41, v17;
	[tilespmem:s31+$0xAA90] =	vst.add.f32.msk $0xffff, v40  }
0xe3: {  	[tilespmem:s31+$0xAB80] =	vst.add.f32.msk $0xffff, v18;
	v18 =	vmul.f32 v41, v19  }
0xe4: {  	v45 =	vperm.xlane v17, v13;
	v44 =	vmul.f32 v43, v17;
	[tilespmem:s31+$0xAAA0] =	vst.add.f32.msk $0xffff, v42  }
0xe5: {  	[tilespmem:s31+$0xAB90] =	vst.add.f32.msk $0xffff, v18;
	v18 =	vmul.f32 v43, v19  }
0xe6: {  	v47 =	vperm.xlane v17, v14;
	v46 =	vmul.f32 v45, v17;
	[tilespmem:s31+$0xAAB0] =	vst.add.f32.msk $0xffff, v44  }
0xe7: {  	[tilespmem:s31+$0xABA0] =	vst.add.f32.msk $0xffff, v18;
	v18 =	vmul.f32 v45, v19  }
0xe8: {  	v49 =	vperm.xlane v17, v15;
	v48 =	vmul.f32 v47, v17;
	[tilespmem:s31+$0xAAC0] =	vst.add.f32.msk $0xffff, v46  }
0xe9: {  	[tilespmem:s31+$0xABB0] =	vst.add.f32.msk $0xffff, v18;
	v18 =	vmul.f32 v47, v19  }
0xea: {  	v50 =	vperm.xlane v19, v1;
	v17 =	vmul.f32 v49, v17;
	[tilespmem:s31+$0xAAD0] =	vst.add.f32.msk $0xffff, v48  }
0xeb: {  	v51 =	vperm.xlane v19, v2;
	[tilespmem:s31+$0xABC0] =	vst.add.f32.msk $0xffff, v18;
	v18 =	vmul.f32 v49, v19  }
0xec: {  	v52 =	vperm.xlane v19, v3;
	[tilespmem:s31+$0xAAE0] =	vst.add.f32.msk $0xffff, v17;
	v17 =	vmul.f32 v50, v19  }
0xed: {  	v53 =	vperm.xlane v19, v4;
	[tilespmem:s31+$0xABD0] =	vst.add.f32.msk $0xffff, v18;
	v18 =	vmul.f32 v51, v19  }
0xee: {  	v54 =	vperm.xlane v19, v5;
	[tilespmem:s31+$0xABE0] =	vst.add.f32.msk $0xffff, v17;
	v17 =	vmul.f32 v52, v19  }
0xef: {  	v55 =	vperm.xlane v19, v6;
	[tilespmem:s31+$0xABF0] =	vst.add.f32.msk $0xffff, v18;
	v18 =	vmul.f32 v53, v19  }
0xf0: {  	v56 =	vperm.xlane v19, v7;
	[tilespmem:s31+$0xAC00] =	vst.add.f32.msk $0xffff, v17;
	v17 =	vmul.f32 v54, v19  }
0xf1: {  	v57 =	vperm.xlane v19, v8;
	[tilespmem:s31+$0xAC10] =	vst.add.f32.msk $0xffff, v18;
	v18 =	vmul.f32 v55, v19  }
0xf2: {  	v58 =	vperm.xlane v19, v9;
	[tilespmem:s31+$0xAC20] =	vst.add.f32.msk $0xffff, v17;
	v17 =	vmul.f32 v56, v19  }
0xf3: {  	v59 =	vperm.xlane v19, v10;
	[tilespmem:s31+$0xAC30] =	vst.add.f32.msk $0xffff, v18;
	v18 =	vmul.f32 v57, v19  }
0xf4: {  	v60 =	vperm.xlane v19, v11;
	[tilespmem:s31+$0xAC40] =	vst.add.f32.msk $0xffff, v17;
	v17 =	vmul.f32 v58, v19  }
0xf5: {  	v61 =	vperm.xlane v19, v12;
	[tilespmem:s31+$0xAC50] =	vst.add.f32.msk $0xffff, v18;
	v18 =	vmul.f32 v59, v19  }
0xf6: {  	p0 =	sne.s32 s21, $0xFF0;
	v62 =	vperm.xlane v19, v13;
	[tilespmem:s31+$0xAC60] =	vst.add.f32.msk $0xffff, v17;
	v17 =	vmul.f32 v60, v19  }
.Ltmp1:
0xf7: {  	v63 =	vperm.xlane v19, v14;
	[tilespmem:s31+$0xAC70] =	vst.add.f32.msk $0xffff, v18;
	v18 =	vmul.f32 v61, v19;
	(pc) =	sbr.rel @p0 .LBB2_4-.Ltmp1, $4  }
0xf8: {  	[tilespmem:s31+$0xAC80] =	vst.add.f32.msk $0xffff, v17;
	v17 =	vmul.f32 v62, v19  }
0xf9: {  	[tilespmem:s31+$0xAC90] =	vst.add.f32.msk $0xffff, v18;
	v18 =	vmul.f32 v63, v19  }
0xfa: {  	[tilespmem:s31+$0xACA0] =	vst.add.f32.msk $0xffff, v17  }
0xfb: {  	s21 =	sadd.s32 $0x10, s21;
	s19 =	sadd.s32 $0x38, s19;
	s20 =	sadd.s32 $0x38, s20;
	[tilespmem:s31+$0xACB0] =	vst.add.f32.msk $0xffff, v18  }
0xfc: {  	s19 =	sshra.s32 s18, $0x2  }
0xfd: {  	v17 =	vld [tilespmem:s19+$0xAA00]  }
0xfe: {  	s18 =	sadd.s32 $0x40, s18;
	v18 =	vld [tilespmem:s19+$0x7A00]  }
.LBB2_6:
0xff: {  	_ = 	snop  }
0x100: {  	p0 =	sne.s32 s18, $0xBFC0  }
.Ltmp2:
0x101: {  	_ = 	snop;
	(pc) =	sbr.rel @p0 .LBB2_6-.Ltmp2, $4  }
0x102: {  	_ = 	snop  }
0x103: {  	s19 =	sshra.s32 s18, $0x2;
	v19 =	vmul.f32 v18, v17  }
0x104: {  	v17 =	vld [tilespmem:s19+$0xAA00]  }
0x105: {  	s18 =	sadd.s32 $0x40, s18;
	v18 =	vld [tilespmem:s19+$0x7A00];
	v16 =	vadd.f32 v19, v16  }
0x106: {  	_ =	sdelay $0x3  }
0x107: {  	v17 =	vmul.f32 v18, v17;
	_ =	sdelay $0x1  }
0x108: {  	s17 =	sadd.s32 $0x1, s17;
	v16 =	vadd.f32 v17, v16  }
0x109: {  	p0 =	sne.s32 s17, s9  }
.Ltmp3:
0x10a: {  	[tilespmem:$0xDA00] =	vst v16;
	(pc) =	sbr.rel @p0 .LBB2_1-.Ltmp3, $4  }
0x10b: {  	[hbm4b:s8+s2] =	stream.linear.scatter [tilespmem:s15], [sflag:$0x2], $0x80, $0x38;
	[tilespmem:$0xDA80] =	vst v63  }
0x10c: {  	_ =	swait.ge [sflag:s16], $0x80  }
0x10d: {  	[sflag:s16] =	ssyncset.done $0x0  }
0x10e: {  	[sflag:s16] =	ssyncadd.s32 $0xFFFFFF80  }
0x10f: {  	_ =	sfence.sel $0x180000  }
0x110: {  	[bflag:$0x0] =	sbarrier.arrive $0xFFFF  }
0x111: {  	p0 =	sne.s32 s0, $0x0;
	_ =	strace $0x90000047  }
0x112: {  	s0 =	sadd.s32 @!p0 $0x100000, s1;
	[bflag:$0x2] =	sbarrier.arrive $0xFFFF  }
0x113: {  	[sflag:s0] =	ssyncadd.tile.s32 @!p0 $0x1;
	_ =	shalt  }
.Lfunc_end2:
_tile_overlayer_lowered:
.L_overlay_start_2:
0x114: {  	(tag) =	ssettag $0x2  }
0x115: {  	s0 =	rddreg [dreg:$0x0];
	s2 =	stileid.u32  }
0x116: {  	s1 =	rddreg [dreg:$0x1];
	p0 =	sne.s32 s2, $0x0  }
0x117: {  	s3 =	rddreg [dreg:$0x2];
	[bflag:$0x3] =	sbarrier.arrive $0xFFFF;
	s2 =	simm.s32 @!p0 $0x1C02  }
0x118: {  	[timem:s3], [sflag:s2] =	dma.local @!p0 [hbm:s0], s1  }
0x119: {  	s0 =	simm.s32 @!p0 $0x2  }
0x11a: {  	_ =	swait.ge @!p0 [sflag:s0], s1  }
0x11b: {  	s1 =	ssub.s32 @!p0 $0x0, s1;
	[sflag:s0] =	ssyncset.done @!p0 $0x0  }
0x11c: {  	[sflag:s0] =	ssyncadd.s32 @!p0 s1  }
0x11d: {  	[bflag:$0x3] =	sbarrier.arrive $0xFFFF  }
0x11e: {  	_ =	shalt  }

</sc_bundles>
